<compile_context>
chip_gen: v7x
topology: tpu7x:2x2x1
jax: 0.10.2.dev20260603
libtpu: 0.0.44.dev20260713+nightly
codegen_flags: <defaults>
</compile_context>

<pallas_src>
import math

import jax
import jax.numpy as jnp
import numpy as np
from jax import lax
from jax.experimental import pallas as pl
from jax.experimental.pallas import tpu as pltpu
from jax.experimental.pallas import tpu_sc as plsc

BLOCK_SIZE = 200
DMODEL = 32
VOCAB_ROWS = 1000000
BATCH = 4096
SCALE = math.sqrt(DMODEL)

NUM_CORES = 2
NUM_SUBCORES = 16
NUM_WORKERS = NUM_CORES * NUM_SUBCORES
BPW = BATCH // NUM_WORKERS
TCHUNK = 4
ROWS = TCHUNK * BPW
NCHUNKS = BLOCK_SIZE // TCHUNK
NBUF = 2
NGROUPS = NCHUNKS // NBUF
DTILES = DMODEL // 8


def _positional_embeddings_scaled():
    pe = np.zeros((BLOCK_SIZE, DMODEL), dtype=np.float32)
    pos = np.arange(BLOCK_SIZE, dtype=np.float32)[:, None]
    i = np.arange(DMODEL // 2, dtype=np.float32)[None, :]
    denom = np.power(10000.0, 2.0 * i / DMODEL)
    pe[:, 0::2] = np.sin(pos / denom)
    pe[:, 1::2] = np.cos(pos / denom)
    return jnp.asarray(pe * SCALE)


_MESH = plsc.VectorSubcoreMesh(
    core_axis_name="c", subcore_axis_name="s",
    num_cores=NUM_CORES, num_subcores=NUM_SUBCORES,
)


@jax.jit
def _embed(x, w, pe_s):
    x_t = x.T
    w2 = lax.optimization_barrier(w.reshape(VOCAB_ROWS * DMODEL // 128, 128))
    w_rows = w2.reshape(VOCAB_ROWS, DMODEL)

    @pl.kernel(
        out_type=jax.ShapeDtypeStruct(
            (BLOCK_SIZE, DTILES, NUM_WORKERS, 8, BPW), jnp.float32),
        mesh=_MESH,
        scratch_types=(
            [pltpu.VMEM((BLOCK_SIZE, BPW), jnp.int32)]
            + [pltpu.VMEM((ROWS, DMODEL), jnp.float32) for _ in range(NBUF)]
            + [pltpu.VMEM((TCHUNK, DTILES, 8, BPW + 1), jnp.float32)
               for _ in range(NBUF)]
            + [pltpu.VMEM((BLOCK_SIZE, DMODEL), jnp.float32)]
            + [pltpu.SemaphoreType.DMA for _ in range(2 * NBUF)]
        ),
        compiler_params=pltpu.CompilerParams(
            use_tc_tiling_on_sc=False, needs_layout_passes=False),
    )
    def body(xt_hbm, w_hbm, pe_hbm, out_hbm, idx_t, *rest):
        gbufs = rest[:NBUF]
        wbufs = rest[NBUF:2 * NBUF]
        pe_v = rest[2 * NBUF]
        gsems = rest[2 * NBUF + 1:2 * NBUF + 1 + NBUF]
        wsems = rest[2 * NBUF + 1 + NBUF:]

        wid = lax.axis_index("s") * NUM_CORES + lax.axis_index("c")
        b0 = wid * BPW
        pltpu.sync_copy(pe_hbm, pe_v)
        pltpu.sync_copy(
            xt_hbm.at[pl.ds(0, BLOCK_SIZE), pl.ds(b0, BPW)], idx_t)

        def gather(c, s):
            for tl in range(TCHUNK):
                pltpu.async_copy(
                    w_hbm.at[idx_t.at[c * TCHUNK + tl]],
                    gbufs[s].at[pl.ds(tl * BPW, BPW)], gsems[s])

        for s in range(NBUF):
            gather(s, s)

        iota = lax.iota(jnp.int32, 16)
        tdvecs = [(iota + h * 16) // 8 for h in range(2)]
        sdvecs = [(iota + h * 16) % 8 for h in range(2)]
        tlvecs = [jnp.broadcast_to(jnp.int32(tl), (16,))
                  for tl in range(TCHUNK)]

        def group(g, carry):
            for s in range(NBUF):
                c = g * NBUF + s
                pltpu.make_async_copy(
                    w_hbm.at[pl.ds(0, ROWS)], gbufs[s], gsems[s]).wait()
                @pl.when(g > 0)
                def _():
                    pltpu.make_async_copy(
                        wbufs[s].at[pl.ds(0, TCHUNK), pl.ds(0, DTILES),
                                    pl.ds(0, 8), pl.ds(0, BPW)],
                        out_hbm.at[pl.ds(0, TCHUNK), pl.ds(0, DTILES), 0,
                                   pl.ds(0, 8), pl.ds(0, BPW)],
                        wsems[s]).wait()

                t0 = c * TCHUNK
                pes = [[pe_v[t0 + tl, pl.ds(h * 16, 16)] for h in range(2)]
                       for tl in range(TCHUNK)]

                def b_body(bb, cy):
                    for bs in range(4):
                        b = bb * 4 + bs
                        bvec = jnp.broadcast_to(b, (16,)).astype(jnp.int32)
                        for tl in range(TCHUNK):
                            row = tl * BPW + b
                            for h in range(2):
                                y = (gbufs[s][row, pl.ds(h * 16, 16)] * SCALE
                                     + pes[tl][h])
                                plsc.store_scatter(
                                    wbufs[s],
                                    [tlvecs[tl], tdvecs[h], sdvecs[h], bvec],
                                    y)
                    return cy

                lax.fori_loop(0, BPW // 4, b_body, 0)

                pltpu.async_copy(
                    wbufs[s].at[pl.ds(0, TCHUNK), pl.ds(0, DTILES),
                                pl.ds(0, 8), pl.ds(0, BPW)],
                    out_hbm.at[pl.ds(t0, TCHUNK), pl.ds(0, DTILES), wid,
                               pl.ds(0, 8), pl.ds(0, BPW)],
                    wsems[s])

                @pl.when(c + NBUF < NCHUNKS)
                def _():
                    gather(c + NBUF, s)
            return carry

        lax.fori_loop(0, NGROUPS, group, 0)

        for s in range(NBUF):
            pltpu.make_async_copy(
                wbufs[s].at[pl.ds(0, TCHUNK), pl.ds(0, DTILES),
                            pl.ds(0, 8), pl.ds(0, BPW)],
                out_hbm.at[pl.ds(0, TCHUNK), pl.ds(0, DTILES), 0,
                           pl.ds(0, 8), pl.ds(0, BPW)],
                wsems[s]).wait()

    out6 = body(x_t, w_rows, pe_s)
    return out6.transpose(2, 4, 0, 1, 3).reshape(BATCH, BLOCK_SIZE, DMODEL)


def kernel(x, W):
    pe_s = _positional_embeddings_scaled()
    return _embed(x.astype(jnp.int32), W, pe_s)

# --- scband reference (transcript-rebuilt; emitter-appended) ---
"""Pipeline reference for scband-positional-embeddings-45741401702589 (READ-ONLY COPY).

The authoritative reference and input builder live on the scoring server;
editing this copy changes nothing except your own understanding.
"""

import jax, jax.numpy as jnp
import numpy as np
import math

BLOCK_SIZE = 200
DMODEL = 32
VOCAB = 1000000
BATCH = 4096


def _positional_embeddings():
    pe = np.zeros((BLOCK_SIZE, DMODEL), dtype=np.float32)
    pos = np.arange(BLOCK_SIZE, dtype=np.float32)[:, None]
    i = np.arange(DMODEL // 2, dtype=np.float32)[None, :]
    denom = np.power(10000.0, 2.0 * i / DMODEL)
    pe[:, 0::2] = np.sin(pos / denom)
    pe[:, 1::2] = np.cos(pos / denom)
    return jnp.asarray(pe)


def setup_inputs(seed: int = 0):
    key = jax.random.key(seed)
    k1, k2 = jax.random.split(key)
    x = jax.random.randint(k1, (BATCH, BLOCK_SIZE), 0, VOCAB)
    # nn.Embedding default init: N(0, 1)
    W = jax.random.normal(k2, (VOCAB, DMODEL), dtype=jnp.float32)
    return {"x": x, "W": W}


def reference(x, W):
    pe = _positional_embeddings()
    emb = jnp.take(W, x, axis=0)                      # gather: [B, T, D]
    out = (emb + pe[None, :, :]) * math.sqrt(DMODEL)  # broadcast add + scale
    # dropout(p=0.1) treated as identity (eval mode / deterministic reference)
    return out

if __name__ == "__main__":
    import jax
    _d = setup_inputs()
    print(jax.jit(kernel)(*tuple(_d.values())))

</pallas_src>

<mosaic_0001>
#map = affine_map<(d0, d1) -> (0, 0)>
#map1 = affine_map<(d0, d1) -> (0, 0, 0, 0, 0)>
module attributes {stable_mosaic.version = 14 : i64} {
  func.func @body(%arg0: i32, %arg1: i32, %arg2: memref<200x4096xi32, #tpu.memory_space<hbm>>, %arg3: memref<1000000x32xf32, #tpu.memory_space<hbm>>, %arg4: memref<200x32xf32, #tpu.memory_space<hbm>>, %arg5: memref<200x4x32x8x128xf32, #tpu.memory_space<hbm>>, %arg6: memref<200x128xi32, #tpu.memory_space<vmem>>, %arg7: memref<512x32xf32, #tpu.memory_space<vmem>>, %arg8: memref<512x32xf32, #tpu.memory_space<vmem>>, %arg9: memref<4x4x8x129xf32, #tpu.memory_space<vmem>>, %arg10: memref<4x4x8x129xf32, #tpu.memory_space<vmem>>, %arg11: memref<200x32xf32, #tpu.memory_space<vmem>>, %arg12: memref<!tpu.dma_semaphore, #tpu.memory_space<semaphore_mem>>, %arg13: memref<!tpu.dma_semaphore, #tpu.memory_space<semaphore_mem>>, %arg14: memref<!tpu.dma_semaphore, #tpu.memory_space<semaphore_mem>>, %arg15: memref<!tpu.dma_semaphore, #tpu.memory_space<semaphore_mem>>) attributes {dimension_semantics = [#tpu.dimension_semantics<core_parallel>, #tpu.dimension_semantics<subcore_parallel>], iteration_bounds = array<i64: 2, 16>, scalar_prefetch = 0 : i64, scratch_operands = 10 : i64, tpu.core_type = #tpu.core_type<sc_vector_subcore>, window_params = [{transform_indices = #map}, {transform_indices = #map}, {transform_indices = #map}, {transform_indices = #map1}]} {
    %mul3A = arith.constant 2 : i32
    %mul3A_0 = arith.muli %arg1, %mul3A : i32
    %add3A = arith.addi %mul3A_0, %arg0 : i32
    %mul3A_1 = arith.constant 128 : i32
    %mul3A_2 = arith.muli %add3A, %mul3A_1 : i32
    "tpu.region"() ({
      %run_scoped3A = tpu.sem_alloc : memref<!tpu.dma_semaphore, #tpu.memory_space<semaphore_mem>>
      tpu.enqueue_dma source(%arg4 : memref<200x32xf32, #tpu.memory_space<hbm>>) target(%arg11 : memref<200x32xf32, #tpu.memory_space<vmem>>) target_semaphore(%run_scoped3A : memref<!tpu.dma_semaphore, #tpu.memory_space<semaphore_mem>>)
      tpu.wait_dma2 semaphore(%run_scoped3A : memref<!tpu.dma_semaphore, #tpu.memory_space<semaphore_mem>>) src(%arg4 : memref<200x32xf32, #tpu.memory_space<hbm>>) dst(%arg11 : memref<200x32xf32, #tpu.memory_space<vmem>>)
      tpu.yield
    }) : () -> ()
    "tpu.region"() ({
      %run_scoped3A = tpu.sem_alloc : memref<!tpu.dma_semaphore, #tpu.memory_space<semaphore_mem>>
      %dma_start3A_247 = arith.constant 0 : i32
      %dma_start3A_248 = tpu.memref_slice %arg2[%dma_start3A_247, %mul3A_2] : memref<200x4096xi32, #tpu.memory_space<hbm>> -> memref<200x128xi32, #tpu.memory_space<hbm>>
      %dma_start3A_249 = arith.constant 0 : i32
      %dma_start3A_250 = tpu.memref_slice %arg2[%dma_start3A_249, %mul3A_2] : memref<200x4096xi32, #tpu.memory_space<hbm>> -> memref<200x128xi32, #tpu.memory_space<hbm>>
      tpu.enqueue_dma source(%dma_start3A_250 : memref<200x128xi32, #tpu.memory_space<hbm>>) target(%arg6 : memref<200x128xi32, #tpu.memory_space<vmem>>) target_semaphore(%run_scoped3A : memref<!tpu.dma_semaphore, #tpu.memory_space<semaphore_mem>>)
      %dma_wait3A_251 = arith.constant 0 : i32
      %dma_wait3A_252 = tpu.memref_slice %arg2[%dma_wait3A_251, %mul3A_2] : memref<200x4096xi32, #tpu.memory_space<hbm>> -> memref<200x128xi32, #tpu.memory_space<hbm>>
      %dma_wait3A_253 = arith.constant 0 : i32
      %dma_wait3A_254 = tpu.memref_slice %arg2[%dma_wait3A_253, %mul3A_2] : memref<200x4096xi32, #tpu.memory_space<hbm>> -> memref<200x128xi32, #tpu.memory_space<hbm>>
      tpu.wait_dma2 semaphore(%run_scoped3A : memref<!tpu.dma_semaphore, #tpu.memory_space<semaphore_mem>>) src(%dma_wait3A_254 : memref<200x128xi32, #tpu.memory_space<hbm>>) dst(%arg6 : memref<200x128xi32, #tpu.memory_space<vmem>>)
      tpu.yield
    }) : () -> ()
    %dma_start3A = arith.constant 0 : i32
    %dma_start3A_3 = arith.constant 0 : i32
    %dma_start3A_4 = arith.constant 0 : i32
    %dma_start3A_5 = tpu.memref_slice %arg7[%dma_start3A_3, %dma_start3A_4] : memref<512x32xf32, #tpu.memory_space<vmem>> -> memref<128x32xf32, #tpu.memory_space<vmem>>
    %dma_start3A_6 = arith.constant 0 : i32
    %dma_start3A_7 = tpu.memref_slice %arg6[%dma_start3A, %dma_start3A_6] : memref<200x128xi32, #tpu.memory_space<vmem>> -> memref<1x128xi32, #tpu.memory_space<vmem>>
    %dma_start3A_8 = tpu.memref_squeeze %dma_start3A_7 : memref<1x128xi32, #tpu.memory_space<vmem>> -> memref<128xi32, #tpu.memory_space<vmem>>
    %dma_start3A_9 = arith.constant 0 : i32
    %dma_start3A_10 = arith.constant 0 : i32
    %dma_start3A_11 = tpu.memref_slice %arg3[%dma_start3A_9, %dma_start3A_10] : memref<1000000x32xf32, #tpu.memory_space<hbm>> -> memref<1000000x32xf32, #tpu.memory_space<hbm>>
    tpu.enqueue_indirect_dma source(%dma_start3A_11 : memref<1000000x32xf32, #tpu.memory_space<hbm>>) target(%dma_start3A_5 : memref<128x32xf32, #tpu.memory_space<vmem>>) offsets(%dma_start3A_8 : memref<128xi32, #tpu.memory_space<vmem>>) semaphore(%arg12 : memref<!tpu.dma_semaphore, #tpu.memory_space<semaphore_mem>>)
    %dma_start3A_12 = arith.constant 1 : i32
    %dma_start3A_13 = arith.constant 128 : i32
    %dma_start3A_14 = arith.constant 0 : i32
    %dma_start3A_15 = tpu.memref_slice %arg7[%dma_start3A_13, %dma_start3A_14] : memref<512x32xf32, #tpu.memory_space<vmem>> -> memref<128x32xf32, #tpu.memory_space<vmem>>
    %dma_start3A_16 = arith.constant 0 : i32
    %dma_start3A_17 = tpu.memref_slice %arg6[%dma_start3A_12, %dma_start3A_16] : memref<200x128xi32, #tpu.memory_space<vmem>> -> memref<1x128xi32, #tpu.memory_space<vmem>>
    %dma_start3A_18 = tpu.memref_squeeze %dma_start3A_17 : memref<1x128xi32, #tpu.memory_space<vmem>> -> memref<128xi32, #tpu.memory_space<vmem>>
    %dma_start3A_19 = arith.constant 0 : i32
    %dma_start3A_20 = arith.constant 0 : i32
    %dma_start3A_21 = tpu.memref_slice %arg3[%dma_start3A_19, %dma_start3A_20] : memref<1000000x32xf32, #tpu.memory_space<hbm>> -> memref<1000000x32xf32, #tpu.memory_space<hbm>>
    tpu.enqueue_indirect_dma source(%dma_start3A_21 : memref<1000000x32xf32, #tpu.memory_space<hbm>>) target(%dma_start3A_15 : memref<128x32xf32, #tpu.memory_space<vmem>>) offsets(%dma_start3A_18 : memref<128xi32, #tpu.memory_space<vmem>>) semaphore(%arg12 : memref<!tpu.dma_semaphore, #tpu.memory_space<semaphore_mem>>)
    %dma_start3A_22 = arith.constant 2 : i32
    %dma_start3A_23 = arith.constant 256 : i32
    %dma_start3A_24 = arith.constant 0 : i32
    %dma_start3A_25 = tpu.memref_slice %arg7[%dma_start3A_23, %dma_start3A_24] : memref<512x32xf32, #tpu.memory_space<vmem>> -> memref<128x32xf32, #tpu.memory_space<vmem>>
    %dma_start3A_26 = arith.constant 0 : i32
    %dma_start3A_27 = tpu.memref_slice %arg6[%dma_start3A_22, %dma_start3A_26] : memref<200x128xi32, #tpu.memory_space<vmem>> -> memref<1x128xi32, #tpu.memory_space<vmem>>
    %dma_start3A_28 = tpu.memref_squeeze %dma_start3A_27 : memref<1x128xi32, #tpu.memory_space<vmem>> -> memref<128xi32, #tpu.memory_space<vmem>>
    %dma_start3A_29 = arith.constant 0 : i32
    %dma_start3A_30 = arith.constant 0 : i32
    %dma_start3A_31 = tpu.memref_slice %arg3[%dma_start3A_29, %dma_start3A_30] : memref<1000000x32xf32, #tpu.memory_space<hbm>> -> memref<1000000x32xf32, #tpu.memory_space<hbm>>
    tpu.enqueue_indirect_dma source(%dma_start3A_31 : memref<1000000x32xf32, #tpu.memory_space<hbm>>) target(%dma_start3A_25 : memref<128x32xf32, #tpu.memory_space<vmem>>) offsets(%dma_start3A_28 : memref<128xi32, #tpu.memory_space<vmem>>) semaphore(%arg12 : memref<!tpu.dma_semaphore, #tpu.memory_space<semaphore_mem>>)
    %dma_start3A_32 = arith.constant 3 : i32
    %dma_start3A_33 = arith.constant 384 : i32
    %dma_start3A_34 = arith.constant 0 : i32
    %dma_start3A_35 = tpu.memref_slice %arg7[%dma_start3A_33, %dma_start3A_34] : memref<512x32xf32, #tpu.memory_space<vmem>> -> memref<128x32xf32, #tpu.memory_space<vmem>>
    %dma_start3A_36 = arith.constant 0 : i32
    %dma_start3A_37 = tpu.memref_slice %arg6[%dma_start3A_32, %dma_start3A_36] : memref<200x128xi32, #tpu.memory_space<vmem>> -> memref<1x128xi32, #tpu.memory_space<vmem>>
    %dma_start3A_38 = tpu.memref_squeeze %dma_start3A_37 : memref<1x128xi32, #tpu.memory_space<vmem>> -> memref<128xi32, #tpu.memory_space<vmem>>
    %dma_start3A_39 = arith.constant 0 : i32
    %dma_start3A_40 = arith.constant 0 : i32
    %dma_start3A_41 = tpu.memref_slice %arg3[%dma_start3A_39, %dma_start3A_40] : memref<1000000x32xf32, #tpu.memory_space<hbm>> -> memref<1000000x32xf32, #tpu.memory_space<hbm>>
    tpu.enqueue_indirect_dma source(%dma_start3A_41 : memref<1000000x32xf32, #tpu.memory_space<hbm>>) target(%dma_start3A_35 : memref<128x32xf32, #tpu.memory_space<vmem>>) offsets(%dma_start3A_38 : memref<128xi32, #tpu.memory_space<vmem>>) semaphore(%arg12 : memref<!tpu.dma_semaphore, #tpu.memory_space<semaphore_mem>>)
    %dma_start3A_42 = arith.constant 4 : i32
    %dma_start3A_43 = arith.constant 0 : i32
    %dma_start3A_44 = arith.constant 0 : i32
    %dma_start3A_45 = tpu.memref_slice %arg8[%dma_start3A_43, %dma_start3A_44] : memref<512x32xf32, #tpu.memory_space<vmem>> -> memref<128x32xf32, #tpu.memory_space<vmem>>
    %dma_start3A_46 = arith.constant 0 : i32
    %dma_start3A_47 = tpu.memref_slice %arg6[%dma_start3A_42, %dma_start3A_46] : memref<200x128xi32, #tpu.memory_space<vmem>> -> memref<1x128xi32, #tpu.memory_space<vmem>>
    %dma_start3A_48 = tpu.memref_squeeze %dma_start3A_47 : memref<1x128xi32, #tpu.memory_space<vmem>> -> memref<128xi32, #tpu.memory_space<vmem>>
    %dma_start3A_49 = arith.constant 0 : i32
    %dma_start3A_50 = arith.constant 0 : i32
    %dma_start3A_51 = tpu.memref_slice %arg3[%dma_start3A_49, %dma_start3A_50] : memref<1000000x32xf32, #tpu.memory_space<hbm>> -> memref<1000000x32xf32, #tpu.memory_space<hbm>>
    tpu.enqueue_indirect_dma source(%dma_start3A_51 : memref<1000000x32xf32, #tpu.memory_space<hbm>>) target(%dma_start3A_45 : memref<128x32xf32, #tpu.memory_space<vmem>>) offsets(%dma_start3A_48 : memref<128xi32, #tpu.memory_space<vmem>>) semaphore(%arg13 : memref<!tpu.dma_semaphore, #tpu.memory_space<semaphore_mem>>)
    %dma_start3A_52 = arith.constant 5 : i32
    %dma_start3A_53 = arith.constant 128 : i32
    %dma_start3A_54 = arith.constant 0 : i32
    %dma_start3A_55 = tpu.memref_slice %arg8[%dma_start3A_53, %dma_start3A_54] : memref<512x32xf32, #tpu.memory_space<vmem>> -> memref<128x32xf32, #tpu.memory_space<vmem>>
    %dma_start3A_56 = arith.constant 0 : i32
    %dma_start3A_57 = tpu.memref_slice %arg6[%dma_start3A_52, %dma_start3A_56] : memref<200x128xi32, #tpu.memory_space<vmem>> -> memref<1x128xi32, #tpu.memory_space<vmem>>
    %dma_start3A_58 = tpu.memref_squeeze %dma_start3A_57 : memref<1x128xi32, #tpu.memory_space<vmem>> -> memref<128xi32, #tpu.memory_space<vmem>>
    %dma_start3A_59 = arith.constant 0 : i32
    %dma_start3A_60 = arith.constant 0 : i32
    %dma_start3A_61 = tpu.memref_slice %arg3[%dma_start3A_59, %dma_start3A_60] : memref<1000000x32xf32, #tpu.memory_space<hbm>> -> memref<1000000x32xf32, #tpu.memory_space<hbm>>
    tpu.enqueue_indirect_dma source(%dma_start3A_61 : memref<1000000x32xf32, #tpu.memory_space<hbm>>) target(%dma_start3A_55 : memref<128x32xf32, #tpu.memory_space<vmem>>) offsets(%dma_start3A_58 : memref<128xi32, #tpu.memory_space<vmem>>) semaphore(%arg13 : memref<!tpu.dma_semaphore, #tpu.memory_space<semaphore_mem>>)
    %dma_start3A_62 = arith.constant 6 : i32
    %dma_start3A_63 = arith.constant 256 : i32
    %dma_start3A_64 = arith.constant 0 : i32
    %dma_start3A_65 = tpu.memref_slice %arg8[%dma_start3A_63, %dma_start3A_64] : memref<512x32xf32, #tpu.memory_space<vmem>> -> memref<128x32xf32, #tpu.memory_space<vmem>>
    %dma_start3A_66 = arith.constant 0 : i32
    %dma_start3A_67 = tpu.memref_slice %arg6[%dma_start3A_62, %dma_start3A_66] : memref<200x128xi32, #tpu.memory_space<vmem>> -> memref<1x128xi32, #tpu.memory_space<vmem>>
    %dma_start3A_68 = tpu.memref_squeeze %dma_start3A_67 : memref<1x128xi32, #tpu.memory_space<vmem>> -> memref<128xi32, #tpu.memory_space<vmem>>
    %dma_start3A_69 = arith.constant 0 : i32
    %dma_start3A_70 = arith.constant 0 : i32
    %dma_start3A_71 = tpu.memref_slice %arg3[%dma_start3A_69, %dma_start3A_70] : memref<1000000x32xf32, #tpu.memory_space<hbm>> -> memref<1000000x32xf32, #tpu.memory_space<hbm>>
    tpu.enqueue_indirect_dma source(%dma_start3A_71 : memref<1000000x32xf32, #tpu.memory_space<hbm>>) target(%dma_start3A_65 : memref<128x32xf32, #tpu.memory_space<vmem>>) offsets(%dma_start3A_68 : memref<128xi32, #tpu.memory_space<vmem>>) semaphore(%arg13 : memref<!tpu.dma_semaphore, #tpu.memory_space<semaphore_mem>>)
    %dma_start3A_72 = arith.constant 7 : i32
    %dma_start3A_73 = arith.constant 384 : i32
    %dma_start3A_74 = arith.constant 0 : i32
    %dma_start3A_75 = tpu.memref_slice %arg8[%dma_start3A_73, %dma_start3A_74] : memref<512x32xf32, #tpu.memory_space<vmem>> -> memref<128x32xf32, #tpu.memory_space<vmem>>
    %dma_start3A_76 = arith.constant 0 : i32
    %dma_start3A_77 = tpu.memref_slice %arg6[%dma_start3A_72, %dma_start3A_76] : memref<200x128xi32, #tpu.memory_space<vmem>> -> memref<1x128xi32, #tpu.memory_space<vmem>>
    %dma_start3A_78 = tpu.memref_squeeze %dma_start3A_77 : memref<1x128xi32, #tpu.memory_space<vmem>> -> memref<128xi32, #tpu.memory_space<vmem>>
    %dma_start3A_79 = arith.constant 0 : i32
    %dma_start3A_80 = arith.constant 0 : i32
    %dma_start3A_81 = tpu.memref_slice %arg3[%dma_start3A_79, %dma_start3A_80] : memref<1000000x32xf32, #tpu.memory_space<hbm>> -> memref<1000000x32xf32, #tpu.memory_space<hbm>>
    tpu.enqueue_indirect_dma source(%dma_start3A_81 : memref<1000000x32xf32, #tpu.memory_space<hbm>>) target(%dma_start3A_75 : memref<128x32xf32, #tpu.memory_space<vmem>>) offsets(%dma_start3A_78 : memref<128xi32, #tpu.memory_space<vmem>>) semaphore(%arg13 : memref<!tpu.dma_semaphore, #tpu.memory_space<semaphore_mem>>)
    %iota3A = tpu.iota {dimensions = array<i32: 0>} : vector<16xi32>
    %add3A_82 = arith.constant 0 : i32
    %add3A_83 = vector.broadcast %add3A_82 : i32 to vector<16xi32>
    %add3A_84 = arith.addi %iota3A, %add3A_83 : vector<16xi32>
    %jit3A = arith.constant 8 : i32
    %div3A = vector.broadcast %jit3A : i32 to vector<16xi32>
    %div3A_85 = arith.divsi %add3A_84, %div3A : vector<16xi32>
    %sign3A = arith.constant 0 : i32
    %sign3A_86 = vector.broadcast %sign3A : i32 to vector<16xi32>
    %sign3A_87 = arith.cmpi sgt, %add3A_84, %sign3A_86 : vector<16xi32>
    %sign3A_88 = arith.extui %sign3A_87 : vector<16xi1> to vector<16xi32>
    %sign3A_89 = arith.constant 0 : i32
    %sign3A_90 = vector.broadcast %sign3A_89 : i32 to vector<16xi32>
    %sign3A_91 = arith.cmpi slt, %add3A_84, %sign3A_90 : vector<16xi32>
    %sign3A_92 = arith.extui %sign3A_91 : vector<16xi1> to vector<16xi32>
    %sign3A_93 = arith.subi %sign3A_88, %sign3A_92 : vector<16xi32>
    %sign3A_94 = arith.constant 0 : i32
    %sign3A_95 = arith.cmpi sgt, %jit3A, %sign3A_94 : i32
    %sign3A_96 = arith.extui %sign3A_95 : i1 to i32
    %sign3A_97 = arith.constant 0 : i32
    %sign3A_98 = arith.cmpi slt, %jit3A, %sign3A_97 : i32
    %sign3A_99 = arith.extui %sign3A_98 : i1 to i32
    %sign3A_100 = arith.subi %sign3A_96, %sign3A_99 : i32
    %ne3A = vector.broadcast %sign3A_100 : i32 to vector<16xi32>
    %ne3A_101 = arith.cmpi ne, %sign3A_93, %ne3A : vector<16xi32>
    %rem3A = vector.broadcast %jit3A : i32 to vector<16xi32>
    %rem3A_102 = arith.remsi %add3A_84, %rem3A : vector<16xi32>
    %ne3A_103 = arith.constant 0 : i32
    %ne3A_104 = vector.broadcast %ne3A_103 : i32 to vector<16xi32>
    %ne3A_105 = arith.cmpi ne, %rem3A_102, %ne3A_104 : vector<16xi32>
    %and3A = arith.andi %ne3A_101, %ne3A_105 : vector<16xi1>
    %sub3A = arith.constant 1 : i32
    %sub3A_106 = vector.broadcast %sub3A : i32 to vector<16xi32>
    %sub3A_107 = arith.subi %div3A_85, %sub3A_106 : vector<16xi32>
    %select_n3A = arith.select %and3A, %sub3A_107, %div3A_85 : vector<16xi1>, vector<16xi32>
    %add3A_108 = arith.constant 16 : i32
    %add3A_109 = vector.broadcast %add3A_108 : i32 to vector<16xi32>
    %add3A_110 = arith.addi %iota3A, %add3A_109 : vector<16xi32>
    %jit3A_111 = arith.constant 8 : i32
    %div3A_112 = vector.broadcast %jit3A_111 : i32 to vector<16xi32>
    %div3A_113 = arith.divsi %add3A_110, %div3A_112 : vector<16xi32>
    %sign3A_114 = arith.constant 0 : i32
    %sign3A_115 = vector.broadcast %sign3A_114 : i32 to vector<16xi32>
    %sign3A_116 = arith.cmpi sgt, %add3A_110, %sign3A_115 : vector<16xi32>
    %sign3A_117 = arith.extui %sign3A_116 : vector<16xi1> to vector<16xi32>
    %sign3A_118 = arith.constant 0 : i32
    %sign3A_119 = vector.broadcast %sign3A_118 : i32 to vector<16xi32>
    %sign3A_120 = arith.cmpi slt, %add3A_110, %sign3A_119 : vector<16xi32>
    %sign3A_121 = arith.extui %sign3A_120 : vector<16xi1> to vector<16xi32>
    %sign3A_122 = arith.subi %sign3A_117, %sign3A_121 : vector<16xi32>
    %sign3A_123 = arith.constant 0 : i32
    %sign3A_124 = arith.cmpi sgt, %jit3A_111, %sign3A_123 : i32
    %sign3A_125 = arith.extui %sign3A_124 : i1 to i32
    %sign3A_126 = arith.constant 0 : i32
    %sign3A_127 = arith.cmpi slt, %jit3A_111, %sign3A_126 : i32
    %sign3A_128 = arith.extui %sign3A_127 : i1 to i32
    %sign3A_129 = arith.subi %sign3A_125, %sign3A_128 : i32
    %ne3A_130 = vector.broadcast %sign3A_129 : i32 to vector<16xi32>
    %ne3A_131 = arith.cmpi ne, %sign3A_122, %ne3A_130 : vector<16xi32>
    %rem3A_132 = vector.broadcast %jit3A_111 : i32 to vector<16xi32>
    %rem3A_133 = arith.remsi %add3A_110, %rem3A_132 : vector<16xi32>
    %ne3A_134 = arith.constant 0 : i32
    %ne3A_135 = vector.broadcast %ne3A_134 : i32 to vector<16xi32>
    %ne3A_136 = arith.cmpi ne, %rem3A_133, %ne3A_135 : vector<16xi32>
    %and3A_137 = arith.andi %ne3A_131, %ne3A_136 : vector<16xi1>
    %sub3A_138 = arith.constant 1 : i32
    %sub3A_139 = vector.broadcast %sub3A_138 : i32 to vector<16xi32>
    %sub3A_140 = arith.subi %div3A_113, %sub3A_139 : vector<16xi32>
    %select_n3A_141 = arith.select %and3A_137, %sub3A_140, %div3A_113 : vector<16xi1>, vector<16xi32>
    %add3A_142 = arith.constant 0 : i32
    %add3A_143 = vector.broadcast %add3A_142 : i32 to vector<16xi32>
    %add3A_144 = arith.addi %iota3A, %add3A_143 : vector<16xi32>
    %jit3A_145 = arith.constant 8 : i32
    %eq3A = arith.constant 0 : i32
    %eq3A_146 = arith.cmpi eq, %jit3A_145, %eq3A : i32
    %jit3A_147 = arith.constant 1 : i32
    %select_n3A_148 = arith.select %eq3A_146, %jit3A_147, %jit3A_145 : i32
    %rem3A_149 = vector.broadcast %select_n3A_148 : i32 to vector<16xi32>
    %rem3A_150 = arith.remsi %add3A_144, %rem3A_149 : vector<16xi32>
    %ne3A_151 = arith.constant 0 : i32
    %ne3A_152 = vector.broadcast %ne3A_151 : i32 to vector<16xi32>
    %ne3A_153 = arith.cmpi ne, %rem3A_150, %ne3A_152 : vector<16xi32>
    %lt3A = arith.constant 0 : i32
    %lt3A_154 = vector.broadcast %lt3A : i32 to vector<16xi32>
    %lt3A_155 = arith.cmpi slt, %rem3A_150, %lt3A_154 : vector<16xi32>
    %lt3A_156 = arith.constant 0 : i32
    %lt3A_157 = arith.cmpi slt, %select_n3A_148, %lt3A_156 : i32
    %ne3A_158 = vector.broadcast %lt3A_157 : i1 to vector<16xi1>
    %ne3A_159 = vector.broadcast %ne3A_158 : vector<16xi1> to vector<16xi1>
    %ne3A_160 = arith.xori %lt3A_155, %ne3A_159 : vector<16xi1>
    %and3A_161 = arith.andi %ne3A_160, %ne3A_153 : vector<16xi1>
    %add3A_162 = vector.broadcast %select_n3A_148 : i32 to vector<16xi32>
    %add3A_163 = arith.addi %rem3A_150, %add3A_162 : vector<16xi32>
    %select_n3A_164 = arith.select %and3A_161, %add3A_163, %rem3A_150 : vector<16xi1>, vector<16xi32>
    %add3A_165 = arith.constant 16 : i32
    %add3A_166 = vector.broadcast %add3A_165 : i32 to vector<16xi32>
    %add3A_167 = arith.addi %iota3A, %add3A_166 : vector<16xi32>
    %jit3A_168 = arith.constant 8 : i32
    %eq3A_169 = arith.constant 0 : i32
    %eq3A_170 = arith.cmpi eq, %jit3A_168, %eq3A_169 : i32
    %jit3A_171 = arith.constant 1 : i32
    %select_n3A_172 = arith.select %eq3A_170, %jit3A_171, %jit3A_168 : i32
    %rem3A_173 = vector.broadcast %select_n3A_172 : i32 to vector<16xi32>
    %rem3A_174 = arith.remsi %add3A_167, %rem3A_173 : vector<16xi32>
    %ne3A_175 = arith.constant 0 : i32
    %ne3A_176 = vector.broadcast %ne3A_175 : i32 to vector<16xi32>
    %ne3A_177 = arith.cmpi ne, %rem3A_174, %ne3A_176 : vector<16xi32>
    %lt3A_178 = arith.constant 0 : i32
    %lt3A_179 = vector.broadcast %lt3A_178 : i32 to vector<16xi32>
    %lt3A_180 = arith.cmpi slt, %rem3A_174, %lt3A_179 : vector<16xi32>
    %lt3A_181 = arith.constant 0 : i32
    %lt3A_182 = arith.cmpi slt, %select_n3A_172, %lt3A_181 : i32
    %ne3A_183 = vector.broadcast %lt3A_182 : i1 to vector<16xi1>
    %ne3A_184 = vector.broadcast %ne3A_183 : vector<16xi1> to vector<16xi1>
    %ne3A_185 = arith.xori %lt3A_180, %ne3A_184 : vector<16xi1>
    %and3A_186 = arith.andi %ne3A_185, %ne3A_177 : vector<16xi1>
    %add3A_187 = vector.broadcast %select_n3A_172 : i32 to vector<16xi32>
    %add3A_188 = arith.addi %rem3A_174, %add3A_187 : vector<16xi32>
    %select_n3A_189 = arith.select %and3A_186, %add3A_188, %rem3A_174 : vector<16xi1>, vector<16xi32>
    %broadcast_in_dim3A = arith.constant 0 : i32
    %broadcast_in_dim3A_190 = vector.broadcast %broadcast_in_dim3A : i32 to vector<16xi32>
    %broadcast_in_dim3A_191 = arith.constant 1 : i32
    %broadcast_in_dim3A_192 = vector.broadcast %broadcast_in_dim3A_191 : i32 to vector<16xi32>
    %broadcast_in_dim3A_193 = arith.constant 2 : i32
    %broadcast_in_dim3A_194 = vector.broadcast %broadcast_in_dim3A_193 : i32 to vector<16xi32>
    %broadcast_in_dim3A_195 = arith.constant 3 : i32
    %broadcast_in_dim3A_196 = vector.broadcast %broadcast_in_dim3A_195 : i32 to vector<16xi32>
    %scan3A = arith.constant 0 : i32
    %scan3A_197 = arith.constant 0 : i32
    %scan3A_198 = arith.constant 25 : i32
    %scan3A_199 = arith.addi %scan3A_197, %scan3A_198 : i32
    %scan3A_200 = arith.constant 1 : i32
    scf.for %scan3A_247 = %scan3A_197 to %scan3A_199 step %scan3A_200  : i32 {
      %mul3A_248 = arith.constant 2 : i32
      %mul3A_249 = arith.muli %scan3A_247, %mul3A_248 : i32
      %add3A_250 = arith.constant 0 : i32
      %add3A_251 = arith.addi %mul3A_249, %add3A_250 : i32
      %dma_wait3A_252 = arith.constant 0 : i32
      %dma_wait3A_253 = arith.constant 0 : i32
      %dma_wait3A_254 = tpu.memref_slice %arg3[%dma_wait3A_252, %dma_wait3A_253] : memref<1000000x32xf32, #tpu.memory_space<hbm>> -> memref<512x32xf32, #tpu.memory_space<hbm>>
      %dma_wait3A_255 = arith.constant 0 : i32
      %dma_wait3A_256 = arith.constant 0 : i32
      %dma_wait3A_257 = tpu.memref_slice %arg3[%dma_wait3A_255, %dma_wait3A_256] : memref<1000000x32xf32, #tpu.memory_space<hbm>> -> memref<512x32xf32, #tpu.memory_space<hbm>>
      tpu.wait_dma2 semaphore(%arg12 : memref<!tpu.dma_semaphore, #tpu.memory_space<semaphore_mem>>) src(%dma_wait3A_257 : memref<512x32xf32, #tpu.memory_space<hbm>>) dst(%arg7 : memref<512x32xf32, #tpu.memory_space<vmem>>)
      %gt3A = arith.constant 0 : i32
      %gt3A_258 = arith.cmpi sgt, %scan3A_247, %gt3A : i32
      %convert_element_type3A = arith.extui %gt3A_258 : i1 to i32
      %cond3A = arith.constant 0 : i32
      %cond3A_259 = arith.cmpi ne, %convert_element_type3A, %cond3A : i32
      scf.if %cond3A_259 {
        %dma_wait3A_424 = arith.constant 0 : i32
        %dma_wait3A_425 = arith.constant 0 : i32
        %dma_wait3A_426 = arith.constant 0 : i32
        %dma_wait3A_427 = arith.constant 0 : i32
        %dma_wait3A_428 = arith.constant 0 : i32
        %dma_wait3A_429 = tpu.memref_slice %arg9[%dma_wait3A_425, %dma_wait3A_426, %dma_wait3A_427, %dma_wait3A_428] : memref<4x4x8x129xf32, #tpu.memory_space<vmem>> -> memref<4x4x8x128xf32, #tpu.memory_space<vmem>>
        %dma_wait3A_430 = arith.constant 0 : i32
        %dma_wait3A_431 = arith.constant 0 : i32
        %dma_wait3A_432 = arith.constant 0 : i32
        %dma_wait3A_433 = arith.constant 0 : i32
        %dma_wait3A_434 = tpu.memref_slice %arg5[%dma_wait3A_430, %dma_wait3A_431, %dma_wait3A_424, %dma_wait3A_432, %dma_wait3A_433] : memref<200x4x32x8x128xf32, #tpu.memory_space<hbm>> -> memref<4x4x1x8x128xf32, #tpu.memory_space<hbm>>
        %dma_wait3A_435 = tpu.memref_squeeze %dma_wait3A_434 : memref<4x4x1x8x128xf32, #tpu.memory_space<hbm>> -> memref<4x4x8x128xf32, #tpu.memory_space<hbm>>
        %dma_wait3A_436 = arith.constant 0 : i32
        %dma_wait3A_437 = arith.constant 0 : i32
        %dma_wait3A_438 = arith.constant 0 : i32
        %dma_wait3A_439 = arith.constant 0 : i32
        %dma_wait3A_440 = tpu.memref_slice %arg5[%dma_wait3A_436, %dma_wait3A_437, %dma_wait3A_424, %dma_wait3A_438, %dma_wait3A_439] : memref<200x4x32x8x128xf32, #tpu.memory_space<hbm>> -> memref<4x4x1x8x128xf32, #tpu.memory_space<hbm>>
        %dma_wait3A_441 = tpu.memref_squeeze %dma_wait3A_440 : memref<4x4x1x8x128xf32, #tpu.memory_space<hbm>> -> memref<4x4x8x128xf32, #tpu.memory_space<hbm>>
        %dma_wait3A_442 = arith.constant 0 : i32
        %dma_wait3A_443 = arith.constant 0 : i32
        %dma_wait3A_444 = arith.constant 0 : i32
        %dma_wait3A_445 = arith.constant 0 : i32
        %dma_wait3A_446 = tpu.memref_slice %arg9[%dma_wait3A_442, %dma_wait3A_443, %dma_wait3A_444, %dma_wait3A_445] : memref<4x4x8x129xf32, #tpu.memory_space<vmem>> -> memref<4x4x8x128xf32, #tpu.memory_space<vmem>>
        tpu.wait_dma2 semaphore(%arg14 : memref<!tpu.dma_semaphore, #tpu.memory_space<semaphore_mem>>) src(%dma_wait3A_446 : memref<4x4x8x128xf32, #tpu.memory_space<vmem>>) dst(%dma_wait3A_441 : memref<4x4x8x128xf32, #tpu.memory_space<hbm>>)
      } else {
      }
      %mul3A_260 = arith.constant 4 : i32
      %mul3A_261 = arith.muli %add3A_251, %mul3A_260 : i32
      %add3A_262 = arith.constant 0 : i32
      %add3A_263 = arith.addi %mul3A_261, %add3A_262 : i32
      %get3A = arith.index_cast %add3A_263 : i32 to index
      %get3A_264 = arith.constant 0 : index
      %get3A_265 = tpu.vector_load %arg11[%get3A, %get3A_264] {strides = array<i32>} : memref<200x32xf32, #tpu.memory_space<vmem>>, vector<16xf32>,
      %add3A_266 = arith.constant 0 : i32
      %add3A_267 = arith.addi %mul3A_261, %add3A_266 : i32
      %get3A_268 = arith.index_cast %add3A_267 : i32 to index
      %get3A_269 = arith.constant 16 : index
      %get3A_270 = tpu.vector_load %arg11[%get3A_268, %get3A_269] {strides = array<i32>} : memref<200x32xf32, #tpu.memory_space<vmem>>, vector<16xf32>,
      %add3A_271 = arith.constant 1 : i32
      %add3A_272 = arith.addi %mul3A_261, %add3A_271 : i32
      %get3A_273 = arith.index_cast %add3A_272 : i32 to index
      %get3A_274 = arith.constant 0 : index
      %get3A_275 = tpu.vector_load %arg11[%get3A_273, %get3A_274] {strides = array<i32>} : memref<200x32xf32, #tpu.memory_space<vmem>>, vector<16xf32>,
      %add3A_276 = arith.constant 1 : i32
      %add3A_277 = arith.addi %mul3A_261, %add3A_276 : i32
      %get3A_278 = arith.index_cast %add3A_277 : i32 to index
      %get3A_279 = arith.constant 16 : index
      %get3A_280 = tpu.vector_load %arg11[%get3A_278, %get3A_279] {strides = array<i32>} : memref<200x32xf32, #tpu.memory_space<vmem>>, vector<16xf32>,
      %add3A_281 = arith.constant 2 : i32
      %add3A_282 = arith.addi %mul3A_261, %add3A_281 : i32
      %get3A_283 = arith.index_cast %add3A_282 : i32 to index
      %get3A_284 = arith.constant 0 : index
      %get3A_285 = tpu.vector_load %arg11[%get3A_283, %get3A_284] {strides = array<i32>} : memref<200x32xf32, #tpu.memory_space<vmem>>, vector<16xf32>,
      %add3A_286 = arith.constant 2 : i32
      %add3A_287 = arith.addi %mul3A_261, %add3A_286 : i32
      %get3A_288 = arith.index_cast %add3A_287 : i32 to index
      %get3A_289 = arith.constant 16 : index
      %get3A_290 = tpu.vector_load %arg11[%get3A_288, %get3A_289] {strides = array<i32>} : memref<200x32xf32, #tpu.memory_space<vmem>>, vector<16xf32>,
      %add3A_291 = arith.constant 3 : i32
      %add3A_292 = arith.addi %mul3A_261, %add3A_291 : i32
      %get3A_293 = arith.index_cast %add3A_292 : i32 to index
      %get3A_294 = arith.constant 0 : index
      %get3A_295 = tpu.vector_load %arg11[%get3A_293, %get3A_294] {strides = array<i32>} : memref<200x32xf32, #tpu.memory_space<vmem>>, vector<16xf32>,
      %add3A_296 = arith.constant 3 : i32
      %add3A_297 = arith.addi %mul3A_261, %add3A_296 : i32
      %get3A_298 = arith.index_cast %add3A_297 : i32 to index
      %get3A_299 = arith.constant 16 : index
      %get3A_300 = tpu.vector_load %arg11[%get3A_298, %get3A_299] {strides = array<i32>} : memref<200x32xf32, #tpu.memory_space<vmem>>, vector<16xf32>,
      %scan3A_301 = arith.constant 0 : i32
      %scan3A_302 = arith.constant 0 : i32
      %scan3A_303 = arith.constant 32 : i32
      %scan3A_304 = arith.addi %scan3A_302, %scan3A_303 : i32
      %scan3A_305 = arith.constant 1 : i32
      scf.for %scan3A_424 = %scan3A_302 to %scan3A_304 step %scan3A_305  : i32 {
        %mul3A_425 = arith.constant 4 : i32
        %mul3A_426 = arith.muli %scan3A_424, %mul3A_425 : i32
        %add3A_427 = arith.constant 0 : i32
        %add3A_428 = arith.addi %mul3A_426, %add3A_427 : i32
        %broadcast_in_dim3A_429 = vector.broadcast %add3A_428 : i32 to vector<16xi32>
        %add3A_430 = arith.constant 0 : i32
        %add3A_431 = arith.addi %add3A_430, %add3A_428 : i32
        %get3A_432 = arith.index_cast %add3A_431 : i32 to index
        %get3A_433 = arith.constant 0 : index
        %get3A_434 = tpu.vector_load %arg7[%get3A_432, %get3A_433] {strides = array<i32>} : memref<512x32xf32, #tpu.memory_space<vmem>>, vector<16xf32>,
        %mul3A_435 = arith.constant 5.65685415 : f32
        %mul3A_436 = vector.broadcast %mul3A_435 : f32 to vector<16xf32>
        %mul3A_437 = arith.mulf %get3A_434, %mul3A_436 : vector<16xf32>
        %add3A_438 = arith.addf %mul3A_437, %get3A_265 : vector<16xf32>
        tpu.vector_store_idx %arg9[%broadcast_in_dim3A_190, %select_n3A, %select_n3A_164, %broadcast_in_dim3A_429], %add3A_438 : memref<4x4x8x129xf32, #tpu.memory_space<vmem>>[vector<16xi32>, vector<16xi32>, vector<16xi32>, vector<16xi32>], vector<16xf32>,
        %get3A_439 = arith.index_cast %add3A_431 : i32 to index
        %get3A_440 = arith.constant 16 : index
        %get3A_441 = tpu.vector_load %arg7[%get3A_439, %get3A_440] {strides = array<i32>} : memref<512x32xf32, #tpu.memory_space<vmem>>, vector<16xf32>,
        %mul3A_442 = arith.constant 5.65685415 : f32
        %mul3A_443 = vector.broadcast %mul3A_442 : f32 to vector<16xf32>
        %mul3A_444 = arith.mulf %get3A_441, %mul3A_443 : vector<16xf32>
        %add3A_445 = arith.addf %mul3A_444, %get3A_270 : vector<16xf32>
        tpu.vector_store_idx %arg9[%broadcast_in_dim3A_190, %select_n3A_141, %select_n3A_189, %broadcast_in_dim3A_429], %add3A_445 : memref<4x4x8x129xf32, #tpu.memory_space<vmem>>[vector<16xi32>, vector<16xi32>, vector<16xi32>, vector<16xi32>], vector<16xf32>,
        %add3A_446 = arith.constant 128 : i32
        %add3A_447 = arith.addi %add3A_446, %add3A_428 : i32
        %get3A_448 = arith.index_cast %add3A_447 : i32 to index
        %get3A_449 = arith.constant 0 : index
        %get3A_450 = tpu.vector_load %arg7[%get3A_448, %get3A_449] {strides = array<i32>} : memref<512x32xf32, #tpu.memory_space<vmem>>, vector<16xf32>,
        %mul3A_451 = arith.constant 5.65685415 : f32
        %mul3A_452 = vector.broadcast %mul3A_451 : f32 to vector<16xf32>
        %mul3A_453 = arith.mulf %get3A_450, %mul3A_452 : vector<16xf32>
        %add3A_454 = arith.addf %mul3A_453, %get3A_275 : vector<16xf32>
        tpu.vector_store_idx %arg9[%broadcast_in_dim3A_192, %select_n3A, %select_n3A_164, %broadcast_in_dim3A_429], %add3A_454 : memref<4x4x8x129xf32, #tpu.memory_space<vmem>>[vector<16xi32>, vector<16xi32>, vector<16xi32>, vector<16xi32>], vector<16xf32>,
        %get3A_455 = arith.index_cast %add3A_447 : i32 to index
        %get3A_456 = arith.constant 16 : index
        %get3A_457 = tpu.vector_load %arg7[%get3A_455, %get3A_456] {strides = array<i32>} : memref<512x32xf32, #tpu.memory_space<vmem>>, vector<16xf32>,
        %mul3A_458 = arith.constant 5.65685415 : f32
        %mul3A_459 = vector.broadcast %mul3A_458 : f32 to vector<16xf32>
        %mul3A_460 = arith.mulf %get3A_457, %mul3A_459 : vector<16xf32>
        %add3A_461 = arith.addf %mul3A_460, %get3A_280 : vector<16xf32>
        tpu.vector_store_idx %arg9[%broadcast_in_dim3A_192, %select_n3A_141, %select_n3A_189, %broadcast_in_dim3A_429], %add3A_461 : memref<4x4x8x129xf32, #tpu.memory_space<vmem>>[vector<16xi32>, vector<16xi32>, vector<16xi32>, vector<16xi32>], vector<16xf32>,
        %add3A_462 = arith.constant 256 : i32
        %add3A_463 = arith.addi %add3A_462, %add3A_428 : i32
        %get3A_464 = arith.index_cast %add3A_463 : i32 to index
        %get3A_465 = arith.constant 0 : index
        %get3A_466 = tpu.vector_load %arg7[%get3A_464, %get3A_465] {strides = array<i32>} : memref<512x32xf32, #tpu.memory_space<vmem>>, vector<16xf32>,
        %mul3A_467 = arith.constant 5.65685415 : f32
        %mul3A_468 = vector.broadcast %mul3A_467 : f32 to vector<16xf32>
        %mul3A_469 = arith.mulf %get3A_466, %mul3A_468 : vector<16xf32>
        %add3A_470 = arith.addf %mul3A_469, %get3A_285 : vector<16xf32>
        tpu.vector_store_idx %arg9[%broadcast_in_dim3A_194, %select_n3A, %select_n3A_164, %broadcast_in_dim3A_429], %add3A_470 : memref<4x4x8x129xf32, #tpu.memory_space<vmem>>[vector<16xi32>, vector<16xi32>, vector<16xi32>, vector<16xi32>], vector<16xf32>,
        %get3A_471 = arith.index_cast %add3A_463 : i32 to index
        %get3A_472 = arith.constant 16 : index
        %get3A_473 = tpu.vector_load %arg7[%get3A_471, %get3A_472] {strides = array<i32>} : memref<512x32xf32, #tpu.memory_space<vmem>>, vector<16xf32>,
        %mul3A_474 = arith.constant 5.65685415 : f32
        %mul3A_475 = vector.broadcast %mul3A_474 : f32 to vector<16xf32>
        %mul3A_476 = arith.mulf %get3A_473, %mul3A_475 : vector<16xf32>
        %add3A_477 = arith.addf %mul3A_476, %get3A_290 : vector<16xf32>
        tpu.vector_store_idx %arg9[%broadcast_in_dim3A_194, %select_n3A_141, %select_n3A_189, %broadcast_in_dim3A_429], %add3A_477 : memref<4x4x8x129xf32, #tpu.memory_space<vmem>>[vector<16xi32>, vector<16xi32>, vector<16xi32>, vector<16xi32>], vector<16xf32>,
        %add3A_478 = arith.constant 384 : i32
        %add3A_479 = arith.addi %add3A_478, %add3A_428 : i32
        %get3A_480 = arith.index_cast %add3A_479 : i32 to index
        %get3A_481 = arith.constant 0 : index
        %get3A_482 = tpu.vector_load %arg7[%get3A_480, %get3A_481] {strides = array<i32>} : memref<512x32xf32, #tpu.memory_space<vmem>>, vector<16xf32>,
        %mul3A_483 = arith.constant 5.65685415 : f32
        %mul3A_484 = vector.broadcast %mul3A_483 : f32 to vector<16xf32>
        %mul3A_485 = arith.mulf %get3A_482, %mul3A_484 : vector<16xf32>
        %add3A_486 = arith.addf %mul3A_485, %get3A_295 : vector<16xf32>
        tpu.vector_store_idx %arg9[%broadcast_in_dim3A_196, %select_n3A, %select_n3A_164, %broadcast_in_dim3A_429], %add3A_486 : memref<4x4x8x129xf32, #tpu.memory_space<vmem>>[vector<16xi32>, vector<16xi32>, vector<16xi32>, vector<16xi32>], vector<16xf32>,
        %get3A_487 = arith.index_cast %add3A_479 : i32 to index
        %get3A_488 = arith.constant 16 : index
        %get3A_489 = tpu.vector_load %arg7[%get3A_487, %get3A_488] {strides = array<i32>} : memref<512x32xf32, #tpu.memory_space<vmem>>, vector<16xf32>,
        %mul3A_490 = arith.constant 5.65685415 : f32
        %mul3A_491 = vector.broadcast %mul3A_490 : f32 to vector<16xf32>
        %mul3A_492 = arith.mulf %get3A_489, %mul3A_491 : vector<16xf32>
        %add3A_493 = arith.addf %mul3A_492, %get3A_300 : vector<16xf32>
        tpu.vector_store_idx %arg9[%broadcast_in_dim3A_196, %select_n3A_141, %select_n3A_189, %broadcast_in_dim3A_429], %add3A_493 : memref<4x4x8x129xf32, #tpu.memory_space<vmem>>[vector<16xi32>, vector<16xi32>, vector<16xi32>, vector<16xi32>], vector<16xf32>,
        %mul3A_494 = arith.constant 4 : i32
        %mul3A_495 = arith.muli %scan3A_424, %mul3A_494 : i32
        %add3A_496 = arith.constant 1 : i32
        %add3A_497 = arith.addi %mul3A_495, %add3A_496 : i32
        %broadcast_in_dim3A_498 = vector.broadcast %add3A_497 : i32 to vector<16xi32>
        %add3A_499 = arith.constant 0 : i32
        %add3A_500 = arith.addi %add3A_499, %add3A_497 : i32
        %get3A_501 = arith.index_cast %add3A_500 : i32 to index
        %get3A_502 = arith.constant 0 : index
        %get3A_503 = tpu.vector_load %arg7[%get3A_501, %get3A_502] {strides = array<i32>} : memref<512x32xf32, #tpu.memory_space<vmem>>, vector<16xf32>,
        %mul3A_504 = arith.constant 5.65685415 : f32
        %mul3A_505 = vector.broadcast %mul3A_504 : f32 to vector<16xf32>
        %mul3A_506 = arith.mulf %get3A_503, %mul3A_505 : vector<16xf32>
        %add3A_507 = arith.addf %mul3A_506, %get3A_265 : vector<16xf32>
        tpu.vector_store_idx %arg9[%broadcast_in_dim3A_190, %select_n3A, %select_n3A_164, %broadcast_in_dim3A_498], %add3A_507 : memref<4x4x8x129xf32, #tpu.memory_space<vmem>>[vector<16xi32>, vector<16xi32>, vector<16xi32>, vector<16xi32>], vector<16xf32>,
        %get3A_508 = arith.index_cast %add3A_500 : i32 to index
        %get3A_509 = arith.constant 16 : index
        %get3A_510 = tpu.vector_load %arg7[%get3A_508, %get3A_509] {strides = array<i32>} : memref<512x32xf32, #tpu.memory_space<vmem>>, vector<16xf32>,
        %mul3A_511 = arith.constant 5.65685415 : f32
        %mul3A_512 = vector.broadcast %mul3A_511 : f32 to vector<16xf32>
        %mul3A_513 = arith.mulf %get3A_510, %mul3A_512 : vector<16xf32>
        %add3A_514 = arith.addf %mul3A_513, %get3A_270 : vector<16xf32>
        tpu.vector_store_idx %arg9[%broadcast_in_dim3A_190, %select_n3A_141, %select_n3A_189, %broadcast_in_dim3A_498], %add3A_514 : memref<4x4x8x129xf32, #tpu.memory_space<vmem>>[vector<16xi32>, vector<16xi32>, vector<16xi32>, vector<16xi32>], vector<16xf32>,
        %add3A_515 = arith.constant 128 : i32
        %add3A_516 = arith.addi %add3A_515, %add3A_497 : i32
        %get3A_517 = arith.index_cast %add3A_516 : i32 to index
        %get3A_518 = arith.constant 0 : index
        %get3A_519 = tpu.vector_load %arg7[%get3A_517, %get3A_518] {strides = array<i32>} : memref<512x32xf32, #tpu.memory_space<vmem>>, vector<16xf32>,
        %mul3A_520 = arith.constant 5.65685415 : f32
        %mul3A_521 = vector.broadcast %mul3A_520 : f32 to vector<16xf32>
        %mul3A_522 = arith.mulf %get3A_519, %mul3A_521 : vector<16xf32>
        %add3A_523 = arith.addf %mul3A_522, %get3A_275 : vector<16xf32>
        tpu.vector_store_idx %arg9[%broadcast_in_dim3A_192, %select_n3A, %select_n3A_164, %broadcast_in_dim3A_498], %add3A_523 : memref<4x4x8x129xf32, #tpu.memory_space<vmem>>[vector<16xi32>, vector<16xi32>, vector<16xi32>, vector<16xi32>], vector<16xf32>,
        %get3A_524 = arith.index_cast %add3A_516 : i32 to index
        %get3A_525 = arith.constant 16 : index
        %get3A_526 = tpu.vector_load %arg7[%get3A_524, %get3A_525] {strides = array<i32>} : memref<512x32xf32, #tpu.memory_space<vmem>>, vector<16xf32>,
        %mul3A_527 = arith.constant 5.65685415 : f32
        %mul3A_528 = vector.broadcast %mul3A_527 : f32 to vector<16xf32>
        %mul3A_529 = arith.mulf %get3A_526, %mul3A_528 : vector<16xf32>
        %add3A_530 = arith.addf %mul3A_529, %get3A_280 : vector<16xf32>
        tpu.vector_store_idx %arg9[%broadcast_in_dim3A_192, %select_n3A_141, %select_n3A_189, %broadcast_in_dim3A_498], %add3A_530 : memref<4x4x8x129xf32, #tpu.memory_space<vmem>>[vector<16xi32>, vector<16xi32>, vector<16xi32>, vector<16xi32>], vector<16xf32>,
        %add3A_531 = arith.constant 256 : i32
        %add3A_532 = arith.addi %add3A_531, %add3A_497 : i32
        %get3A_533 = arith.index_cast %add3A_532 : i32 to index
        %get3A_534 = arith.constant 0 : index
        %get3A_535 = tpu.vector_load %arg7[%get3A_533, %get3A_534] {strides = array<i32>} : memref<512x32xf32, #tpu.memory_space<vmem>>, vector<16xf32>,
        %mul3A_536 = arith.constant 5.65685415 : f32
        %mul3A_537 = vector.broadcast %mul3A_536 : f32 to vector<16xf32>
        %mul3A_538 = arith.mulf %get3A_535, %mul3A_537 : vector<16xf32>
        %add3A_539 = arith.addf %mul3A_538, %get3A_285 : vector<16xf32>
        tpu.vector_store_idx %arg9[%broadcast_in_dim3A_194, %select_n3A, %select_n3A_164, %broadcast_in_dim3A_498], %add3A_539 : memref<4x4x8x129xf32, #tpu.memory_space<vmem>>[vector<16xi32>, vector<16xi32>, vector<16xi32>, vector<16xi32>], vector<16xf32>,
        %get3A_540 = arith.index_cast %add3A_532 : i32 to index
        %get3A_541 = arith.constant 16 : index
        %get3A_542 = tpu.vector_load %arg7[%get3A_540, %get3A_541] {strides = array<i32>} : memref<512x32xf32, #tpu.memory_space<vmem>>, vector<16xf32>,
        %mul3A_543 = arith.constant 5.65685415 : f32
        %mul3A_544 = vector.broadcast %mul3A_543 : f32 to vector<16xf32>
        %mul3A_545 = arith.mulf %get3A_542, %mul3A_544 : vector<16xf32>
        %add3A_546 = arith.addf %mul3A_545, %get3A_290 : vector<16xf32>
        tpu.vector_store_idx %arg9[%broadcast_in_dim3A_194, %select_n3A_141, %select_n3A_189, %broadcast_in_dim3A_498], %add3A_546 : memref<4x4x8x129xf32, #tpu.memory_space<vmem>>[vector<16xi32>, vector<16xi32>, vector<16xi32>, vector<16xi32>], vector<16xf32>,
        %add3A_547 = arith.constant 384 : i32
        %add3A_548 = arith.addi %add3A_547, %add3A_497 : i32
        %get3A_549 = arith.index_cast %add3A_548 : i32 to index
        %get3A_550 = arith.constant 0 : index
        %get3A_551 = tpu.vector_load %arg7[%get3A_549, %get3A_550] {strides = array<i32>} : memref<512x32xf32, #tpu.memory_space<vmem>>, vector<16xf32>,
        %mul3A_552 = arith.constant 5.65685415 : f32
        %mul3A_553 = vector.broadcast %mul3A_552 : f32 to vector<16xf32>
        %mul3A_554 = arith.mulf %get3A_551, %mul3A_553 : vector<16xf32>
        %add3A_555 = arith.addf %mul3A_554, %get3A_295 : vector<16xf32>
        tpu.vector_store_idx %arg9[%broadcast_in_dim3A_196, %select_n3A, %select_n3A_164, %broadcast_in_dim3A_498], %add3A_555 : memref<4x4x8x129xf32, #tpu.memory_space<vmem>>[vector<16xi32>, vector<16xi32>, vector<16xi32>, vector<16xi32>], vector<16xf32>,
        %get3A_556 = arith.index_cast %add3A_548 : i32 to index
        %get3A_557 = arith.constant 16 : index
        %get3A_558 = tpu.vector_load %arg7[%get3A_556, %get3A_557] {strides = array<i32>} : memref<512x32xf32, #tpu.memory_space<vmem>>, vector<16xf32>,
        %mul3A_559 = arith.constant 5.65685415 : f32
        %mul3A_560 = vector.broadcast %mul3A_559 : f32 to vector<16xf32>
        %mul3A_561 = arith.mulf %get3A_558, %mul3A_560 : vector<16xf32>
        %add3A_562 = arith.addf %mul3A_561, %get3A_300 : vector<16xf32>
        tpu.vector_store_idx %arg9[%broadcast_in_dim3A_196, %select_n3A_141, %select_n3A_189, %broadcast_in_dim3A_498], %add3A_562 : memref<4x4x8x129xf32, #tpu.memory_space<vmem>>[vector<16xi32>, vector<16xi32>, vector<16xi32>, vector<16xi32>], vector<16xf32>,
        %mul3A_563 = arith.constant 4 : i32
        %mul3A_564 = arith.muli %scan3A_424, %mul3A_563 : i32
        %add3A_565 = arith.constant 2 : i32
        %add3A_566 = arith.addi %mul3A_564, %add3A_565 : i32
        %broadcast_in_dim3A_567 = vector.broadcast %add3A_566 : i32 to vector<16xi32>
        %add3A_568 = arith.constant 0 : i32
        %add3A_569 = arith.addi %add3A_568, %add3A_566 : i32
        %get3A_570 = arith.index_cast %add3A_569 : i32 to index
        %get3A_571 = arith.constant 0 : index
        %get3A_572 = tpu.vector_load %arg7[%get3A_570, %get3A_571] {strides = array<i32>} : memref<512x32xf32, #tpu.memory_space<vmem>>, vector<16xf32>,
        %mul3A_573 = arith.constant 5.65685415 : f32
        %mul3A_574 = vector.broadcast %mul3A_573 : f32 to vector<16xf32>
        %mul3A_575 = arith.mulf %get3A_572, %mul3A_574 : vector<16xf32>
        %add3A_576 = arith.addf %mul3A_575, %get3A_265 : vector<16xf32>
        tpu.vector_store_idx %arg9[%broadcast_in_dim3A_190, %select_n3A, %select_n3A_164, %broadcast_in_dim3A_567], %add3A_576 : memref<4x4x8x129xf32, #tpu.memory_space<vmem>>[vector<16xi32>, vector<16xi32>, vector<16xi32>, vector<16xi32>], vector<16xf32>,
        %get3A_577 = arith.index_cast %add3A_569 : i32 to index
        %get3A_578 = arith.constant 16 : index
        %get3A_579 = tpu.vector_load %arg7[%get3A_577, %get3A_578] {strides = array<i32>} : memref<512x32xf32, #tpu.memory_space<vmem>>, vector<16xf32>,
        %mul3A_580 = arith.constant 5.65685415 : f32
        %mul3A_581 = vector.broadcast %mul3A_580 : f32 to vector<16xf32>
        %mul3A_582 = arith.mulf %get3A_579, %mul3A_581 : vector<16xf32>
        %add3A_583 = arith.addf %mul3A_582, %get3A_270 : vector<16xf32>
        tpu.vector_store_idx %arg9[%broadcast_in_dim3A_190, %select_n3A_141, %select_n3A_189, %broadcast_in_dim3A_567], %add3A_583 : memref<4x4x8x129xf32, #tpu.memory_space<vmem>>[vector<16xi32>, vector<16xi32>, vector<16xi32>, vector<16xi32>], vector<16xf32>,
        %add3A_584 = arith.constant 128 : i32
        %add3A_585 = arith.addi %add3A_584, %add3A_566 : i32
        %get3A_586 = arith.index_cast %add3A_585 : i32 to index
        %get3A_587 = arith.constant 0 : index
        %get3A_588 = tpu.vector_load %arg7[%get3A_586, %get3A_587] {strides = array<i32>} : memref<512x32xf32, #tpu.memory_space<vmem>>, vector<16xf32>,
        %mul3A_589 = arith.constant 5.65685415 : f32
        %mul3A_590 = vector.broadcast %mul3A_589 : f32 to vector<16xf32>
        %mul3A_591 = arith.mulf %get3A_588, %mul3A_590 : vector<16xf32>
        %add3A_592 = arith.addf %mul3A_591, %get3A_275 : vector<16xf32>
        tpu.vector_store_idx %arg9[%broadcast_in_dim3A_192, %select_n3A, %select_n3A_164, %broadcast_in_dim3A_567], %add3A_592 : memref<4x4x8x129xf32, #tpu.memory_space<vmem>>[vector<16xi32>, vector<16xi32>, vector<16xi32>, vector<16xi32>], vector<16xf32>,
        %get3A_593 = arith.index_cast %add3A_585 : i32 to index
        %get3A_594 = arith.constant 16 : index
        %get3A_595 = tpu.vector_load %arg7[%get3A_593, %get3A_594] {strides = array<i32>} : memref<512x32xf32, #tpu.memory_space<vmem>>, vector<16xf32>,
        %mul3A_596 = arith.constant 5.65685415 : f32
        %mul3A_597 = vector.broadcast %mul3A_596 : f32 to vector<16xf32>
        %mul3A_598 = arith.mulf %get3A_595, %mul3A_597 : vector<16xf32>
        %add3A_599 = arith.addf %mul3A_598, %get3A_280 : vector<16xf32>
        tpu.vector_store_idx %arg9[%broadcast_in_dim3A_192, %select_n3A_141, %select_n3A_189, %broadcast_in_dim3A_567], %add3A_599 : memref<4x4x8x129xf32, #tpu.memory_space<vmem>>[vector<16xi32>, vector<16xi32>, vector<16xi32>, vector<16xi32>], vector<16xf32>,
        %add3A_600 = arith.constant 256 : i32
        %add3A_601 = arith.addi %add3A_600, %add3A_566 : i32
        %get3A_602 = arith.index_cast %add3A_601 : i32 to index
        %get3A_603 = arith.constant 0 : index
        %get3A_604 = tpu.vector_load %arg7[%get3A_602, %get3A_603] {strides = array<i32>} : memref<512x32xf32, #tpu.memory_space<vmem>>, vector<16xf32>,
        %mul3A_605 = arith.constant 5.65685415 : f32
        %mul3A_606 = vector.broadcast %mul3A_605 : f32 to vector<16xf32>
        %mul3A_607 = arith.mulf %get3A_604, %mul3A_606 : vector<16xf32>
        %add3A_608 = arith.addf %mul3A_607, %get3A_285 : vector<16xf32>
        tpu.vector_store_idx %arg9[%broadcast_in_dim3A_194, %select_n3A, %select_n3A_164, %broadcast_in_dim3A_567], %add3A_608 : memref<4x4x8x129xf32, #tpu.memory_space<vmem>>[vector<16xi32>, vector<16xi32>, vector<16xi32>, vector<16xi32>], vector<16xf32>,
        %get3A_609 = arith.index_cast %add3A_601 : i32 to index
        %get3A_610 = arith.constant 16 : index
        %get3A_611 = tpu.vector_load %arg7[%get3A_609, %get3A_610] {strides = array<i32>} : memref<512x32xf32, #tpu.memory_space<vmem>>, vector<16xf32>,
        %mul3A_612 = arith.constant 5.65685415 : f32
        %mul3A_613 = vector.broadcast %mul3A_612 : f32 to vector<16xf32>
        %mul3A_614 = arith.mulf %get3A_611, %mul3A_613 : vector<16xf32>
        %add3A_615 = arith.addf %mul3A_614, %get3A_290 : vector<16xf32>
        tpu.vector_store_idx %arg9[%broadcast_in_dim3A_194, %select_n3A_141, %select_n3A_189, %broadcast_in_dim3A_567], %add3A_615 : memref<4x4x8x129xf32, #tpu.memory_space<vmem>>[vector<16xi32>, vector<16xi32>, vector<16xi32>, vector<16xi32>], vector<16xf32>,
        %add3A_616 = arith.constant 384 : i32
        %add3A_617 = arith.addi %add3A_616, %add3A_566 : i32
        %get3A_618 = arith.index_cast %add3A_617 : i32 to index
        %get3A_619 = arith.constant 0 : index
        %get3A_620 = tpu.vector_load %arg7[%get3A_618, %get3A_619] {strides = array<i32>} : memref<512x32xf32, #tpu.memory_space<vmem>>, vector<16xf32>,
        %mul3A_621 = arith.constant 5.65685415 : f32
        %mul3A_622 = vector.broadcast %mul3A_621 : f32 to vector<16xf32>
        %mul3A_623 = arith.mulf %get3A_620, %mul3A_622 : vector<16xf32>
        %add3A_624 = arith.addf %mul3A_623, %get3A_295 : vector<16xf32>
        tpu.vector_store_idx %arg9[%broadcast_in_dim3A_196, %select_n3A, %select_n3A_164, %broadcast_in_dim3A_567], %add3A_624 : memref<4x4x8x129xf32, #tpu.memory_space<vmem>>[vector<16xi32>, vector<16xi32>, vector<16xi32>, vector<16xi32>], vector<16xf32>,
        %get3A_625 = arith.index_cast %add3A_617 : i32 to index
        %get3A_626 = arith.constant 16 : index
        %get3A_627 = tpu.vector_load %arg7[%get3A_625, %get3A_626] {strides = array<i32>} : memref<512x32xf32, #tpu.memory_space<vmem>>, vector<16xf32>,
        %mul3A_628 = arith.constant 5.65685415 : f32
        %mul3A_629 = vector.broadcast %mul3A_628 : f32 to vector<16xf32>
        %mul3A_630 = arith.mulf %get3A_627, %mul3A_629 : vector<16xf32>
        %add3A_631 = arith.addf %mul3A_630, %get3A_300 : vector<16xf32>
        tpu.vector_store_idx %arg9[%broadcast_in_dim3A_196, %select_n3A_141, %select_n3A_189, %broadcast_in_dim3A_567], %add3A_631 : memref<4x4x8x129xf32, #tpu.memory_space<vmem>>[vector<16xi32>, vector<16xi32>, vector<16xi32>, vector<16xi32>], vector<16xf32>,
        %mul3A_632 = arith.constant 4 : i32
        %mul3A_633 = arith.muli %scan3A_424, %mul3A_632 : i32
        %add3A_634 = arith.constant 3 : i32
        %add3A_635 = arith.addi %mul3A_633, %add3A_634 : i32
        %broadcast_in_dim3A_636 = vector.broadcast %add3A_635 : i32 to vector<16xi32>
        %add3A_637 = arith.constant 0 : i32
        %add3A_638 = arith.addi %add3A_637, %add3A_635 : i32
        %get3A_639 = arith.index_cast %add3A_638 : i32 to index
        %get3A_640 = arith.constant 0 : index
        %get3A_641 = tpu.vector_load %arg7[%get3A_639, %get3A_640] {strides = array<i32>} : memref<512x32xf32, #tpu.memory_space<vmem>>, vector<16xf32>,
        %mul3A_642 = arith.constant 5.65685415 : f32
        %mul3A_643 = vector.broadcast %mul3A_642 : f32 to vector<16xf32>
        %mul3A_644 = arith.mulf %get3A_641, %mul3A_643 : vector<16xf32>
        %add3A_645 = arith.addf %mul3A_644, %get3A_265 : vector<16xf32>
        tpu.vector_store_idx %arg9[%broadcast_in_dim3A_190, %select_n3A, %select_n3A_164, %broadcast_in_dim3A_636], %add3A_645 : memref<4x4x8x129xf32, #tpu.memory_space<vmem>>[vector<16xi32>, vector<16xi32>, vector<16xi32>, vector<16xi32>], vector<16xf32>,
        %get3A_646 = arith.index_cast %add3A_638 : i32 to index
        %get3A_647 = arith.constant 16 : index
        %get3A_648 = tpu.vector_load %arg7[%get3A_646, %get3A_647] {strides = array<i32>} : memref<512x32xf32, #tpu.memory_space<vmem>>, vector<16xf32>,
        %mul3A_649 = arith.constant 5.65685415 : f32
        %mul3A_650 = vector.broadcast %mul3A_649 : f32 to vector<16xf32>
        %mul3A_651 = arith.mulf %get3A_648, %mul3A_650 : vector<16xf32>
        %add3A_652 = arith.addf %mul3A_651, %get3A_270 : vector<16xf32>
        tpu.vector_store_idx %arg9[%broadcast_in_dim3A_190, %select_n3A_141, %select_n3A_189, %broadcast_in_dim3A_636], %add3A_652 : memref<4x4x8x129xf32, #tpu.memory_space<vmem>>[vector<16xi32>, vector<16xi32>, vector<16xi32>, vector<16xi32>], vector<16xf32>,
        %add3A_653 = arith.constant 128 : i32
        %add3A_654 = arith.addi %add3A_653, %add3A_635 : i32
        %get3A_655 = arith.index_cast %add3A_654 : i32 to index
        %get3A_656 = arith.constant 0 : index
        %get3A_657 = tpu.vector_load %arg7[%get3A_655, %get3A_656] {strides = array<i32>} : memref<512x32xf32, #tpu.memory_space<vmem>>, vector<16xf32>,
        %mul3A_658 = arith.constant 5.65685415 : f32
        %mul3A_659 = vector.broadcast %mul3A_658 : f32 to vector<16xf32>
        %mul3A_660 = arith.mulf %get3A_657, %mul3A_659 : vector<16xf32>
        %add3A_661 = arith.addf %mul3A_660, %get3A_275 : vector<16xf32>
        tpu.vector_store_idx %arg9[%broadcast_in_dim3A_192, %select_n3A, %select_n3A_164, %broadcast_in_dim3A_636], %add3A_661 : memref<4x4x8x129xf32, #tpu.memory_space<vmem>>[vector<16xi32>, vector<16xi32>, vector<16xi32>, vector<16xi32>], vector<16xf32>,
        %get3A_662 = arith.index_cast %add3A_654 : i32 to index
        %get3A_663 = arith.constant 16 : index
        %get3A_664 = tpu.vector_load %arg7[%get3A_662, %get3A_663] {strides = array<i32>} : memref<512x32xf32, #tpu.memory_space<vmem>>, vector<16xf32>,
        %mul3A_665 = arith.constant 5.65685415 : f32
        %mul3A_666 = vector.broadcast %mul3A_665 : f32 to vector<16xf32>
        %mul3A_667 = arith.mulf %get3A_664, %mul3A_666 : vector<16xf32>
        %add3A_668 = arith.addf %mul3A_667, %get3A_280 : vector<16xf32>
        tpu.vector_store_idx %arg9[%broadcast_in_dim3A_192, %select_n3A_141, %select_n3A_189, %broadcast_in_dim3A_636], %add3A_668 : memref<4x4x8x129xf32, #tpu.memory_space<vmem>>[vector<16xi32>, vector<16xi32>, vector<16xi32>, vector<16xi32>], vector<16xf32>,
        %add3A_669 = arith.constant 256 : i32
        %add3A_670 = arith.addi %add3A_669, %add3A_635 : i32
        %get3A_671 = arith.index_cast %add3A_670 : i32 to index
        %get3A_672 = arith.constant 0 : index
        %get3A_673 = tpu.vector_load %arg7[%get3A_671, %get3A_672] {strides = array<i32>} : memref<512x32xf32, #tpu.memory_space<vmem>>, vector<16xf32>,
        %mul3A_674 = arith.constant 5.65685415 : f32
        %mul3A_675 = vector.broadcast %mul3A_674 : f32 to vector<16xf32>
        %mul3A_676 = arith.mulf %get3A_673, %mul3A_675 : vector<16xf32>
        %add3A_677 = arith.addf %mul3A_676, %get3A_285 : vector<16xf32>
        tpu.vector_store_idx %arg9[%broadcast_in_dim3A_194, %select_n3A, %select_n3A_164, %broadcast_in_dim3A_636], %add3A_677 : memref<4x4x8x129xf32, #tpu.memory_space<vmem>>[vector<16xi32>, vector<16xi32>, vector<16xi32>, vector<16xi32>], vector<16xf32>,
        %get3A_678 = arith.index_cast %add3A_670 : i32 to index
        %get3A_679 = arith.constant 16 : index
        %get3A_680 = tpu.vector_load %arg7[%get3A_678, %get3A_679] {strides = array<i32>} : memref<512x32xf32, #tpu.memory_space<vmem>>, vector<16xf32>,
        %mul3A_681 = arith.constant 5.65685415 : f32
        %mul3A_682 = vector.broadcast %mul3A_681 : f32 to vector<16xf32>
        %mul3A_683 = arith.mulf %get3A_680, %mul3A_682 : vector<16xf32>
        %add3A_684 = arith.addf %mul3A_683, %get3A_290 : vector<16xf32>
        tpu.vector_store_idx %arg9[%broadcast_in_dim3A_194, %select_n3A_141, %select_n3A_189, %broadcast_in_dim3A_636], %add3A_684 : memref<4x4x8x129xf32, #tpu.memory_space<vmem>>[vector<16xi32>, vector<16xi32>, vector<16xi32>, vector<16xi32>], vector<16xf32>,
        %add3A_685 = arith.constant 384 : i32
        %add3A_686 = arith.addi %add3A_685, %add3A_635 : i32
        %get3A_687 = arith.index_cast %add3A_686 : i32 to index
        %get3A_688 = arith.constant 0 : index
        %get3A_689 = tpu.vector_load %arg7[%get3A_687, %get3A_688] {strides = array<i32>} : memref<512x32xf32, #tpu.memory_space<vmem>>, vector<16xf32>,
        %mul3A_690 = arith.constant 5.65685415 : f32
        %mul3A_691 = vector.broadcast %mul3A_690 : f32 to vector<16xf32>
        %mul3A_692 = arith.mulf %get3A_689, %mul3A_691 : vector<16xf32>
        %add3A_693 = arith.addf %mul3A_692, %get3A_295 : vector<16xf32>
        tpu.vector_store_idx %arg9[%broadcast_in_dim3A_196, %select_n3A, %select_n3A_164, %broadcast_in_dim3A_636], %add3A_693 : memref<4x4x8x129xf32, #tpu.memory_space<vmem>>[vector<16xi32>, vector<16xi32>, vector<16xi32>, vector<16xi32>], vector<16xf32>,
        %get3A_694 = arith.index_cast %add3A_686 : i32 to index
        %get3A_695 = arith.constant 16 : index
        %get3A_696 = tpu.vector_load %arg7[%get3A_694, %get3A_695] {strides = array<i32>} : memref<512x32xf32, #tpu.memory_space<vmem>>, vector<16xf32>,
        %mul3A_697 = arith.constant 5.65685415 : f32
        %mul3A_698 = vector.broadcast %mul3A_697 : f32 to vector<16xf32>
        %mul3A_699 = arith.mulf %get3A_696, %mul3A_698 : vector<16xf32>
        %add3A_700 = arith.addf %mul3A_699, %get3A_300 : vector<16xf32>
        tpu.vector_store_idx %arg9[%broadcast_in_dim3A_196, %select_n3A_141, %select_n3A_189, %broadcast_in_dim3A_636], %add3A_700 : memref<4x4x8x129xf32, #tpu.memory_space<vmem>>[vector<16xi32>, vector<16xi32>, vector<16xi32>, vector<16xi32>], vector<16xf32>,
      }
      %scan3A_306 = arith.constant 32 : i32
      %dma_start3A_307 = arith.constant 0 : i32
      %dma_start3A_308 = arith.constant 0 : i32
      %dma_start3A_309 = arith.constant 0 : i32
      %dma_start3A_310 = arith.constant 0 : i32
      %dma_start3A_311 = tpu.memref_slice %arg9[%dma_start3A_307, %dma_start3A_308, %dma_start3A_309, %dma_start3A_310] : memref<4x4x8x129xf32, #tpu.memory_space<vmem>> -> memref<4x4x8x128xf32, #tpu.memory_space<vmem>>
      %dma_start3A_312 = arith.constant 0 : i32
      %dma_start3A_313 = arith.constant 0 : i32
      %dma_start3A_314 = arith.constant 0 : i32
      %dma_start3A_315 = tpu.memref_slice %arg5[%mul3A_261, %dma_start3A_312, %add3A, %dma_start3A_313, %dma_start3A_314] : memref<200x4x32x8x128xf32, #tpu.memory_space<hbm>> -> memref<4x4x1x8x128xf32, #tpu.memory_space<hbm>>
      %dma_start3A_316 = tpu.memref_squeeze %dma_start3A_315 : memref<4x4x1x8x128xf32, #tpu.memory_space<hbm>> -> memref<4x4x8x128xf32, #tpu.memory_space<hbm>>
      %dma_start3A_317 = arith.constant 0 : i32
      %dma_start3A_318 = arith.constant 0 : i32
      %dma_start3A_319 = arith.constant 0 : i32
      %dma_start3A_320 = tpu.memref_slice %arg5[%mul3A_261, %dma_start3A_317, %add3A, %dma_start3A_318, %dma_start3A_319] : memref<200x4x32x8x128xf32, #tpu.memory_space<hbm>> -> memref<4x4x1x8x128xf32, #tpu.memory_space<hbm>>
      %dma_start3A_321 = tpu.memref_squeeze %dma_start3A_320 : memref<4x4x1x8x128xf32, #tpu.memory_space<hbm>> -> memref<4x4x8x128xf32, #tpu.memory_space<hbm>>
      %dma_start3A_322 = arith.constant 0 : i32
      %dma_start3A_323 = arith.constant 0 : i32
      %dma_start3A_324 = arith.constant 0 : i32
      %dma_start3A_325 = arith.constant 0 : i32
      %dma_start3A_326 = tpu.memref_slice %arg9[%dma_start3A_322, %dma_start3A_323, %dma_start3A_324, %dma_start3A_325] : memref<4x4x8x129xf32, #tpu.memory_space<vmem>> -> memref<4x4x8x128xf32, #tpu.memory_space<vmem>>
      tpu.enqueue_dma source(%dma_start3A_326 : memref<4x4x8x128xf32, #tpu.memory_space<vmem>>) target(%dma_start3A_321 : memref<4x4x8x128xf32, #tpu.memory_space<hbm>>) target_semaphore(%arg14 : memref<!tpu.dma_semaphore, #tpu.memory_space<semaphore_mem>>)
      %add3A_327 = arith.constant 2 : i32
      %add3A_328 = arith.addi %add3A_251, %add3A_327 : i32
      %lt3A_329 = arith.constant 50 : i32
      %lt3A_330 = arith.cmpi slt, %add3A_328, %lt3A_329 : i32
      %convert_element_type3A_331 = arith.extui %lt3A_330 : i1 to i32
      %cond3A_332 = arith.constant 0 : i32
      %cond3A_333 = arith.cmpi ne, %convert_element_type3A_331, %cond3A_332 : i32
      scf.if %cond3A_333 {
        %add3A_424 = arith.constant 2 : i32
        %add3A_425 = arith.addi %add3A_251, %add3A_424 : i32
        %mul3A_426 = arith.constant 4 : i32
        %mul3A_427 = arith.muli %add3A_425, %mul3A_426 : i32
        %add3A_428 = arith.constant 0 : i32
        %add3A_429 = arith.addi %mul3A_427, %add3A_428 : i32
        %dma_start3A_430 = arith.constant 0 : i32
        %dma_start3A_431 = arith.constant 0 : i32
        %dma_start3A_432 = tpu.memref_slice %arg7[%dma_start3A_430, %dma_start3A_431] : memref<512x32xf32, #tpu.memory_space<vmem>> -> memref<128x32xf32, #tpu.memory_space<vmem>>
        %dma_start3A_433 = arith.constant 0 : i32
        %dma_start3A_434 = tpu.memref_slice %arg6[%add3A_429, %dma_start3A_433] : memref<200x128xi32, #tpu.memory_space<vmem>> -> memref<1x128xi32, #tpu.memory_space<vmem>>
        %dma_start3A_435 = tpu.memref_squeeze %dma_start3A_434 : memref<1x128xi32, #tpu.memory_space<vmem>> -> memref<128xi32, #tpu.memory_space<vmem>>
        %dma_start3A_436 = arith.constant 0 : i32
        %dma_start3A_437 = arith.constant 0 : i32
        %dma_start3A_438 = tpu.memref_slice %arg3[%dma_start3A_436, %dma_start3A_437] : memref<1000000x32xf32, #tpu.memory_space<hbm>> -> memref<1000000x32xf32, #tpu.memory_space<hbm>>
        tpu.enqueue_indirect_dma source(%dma_start3A_438 : memref<1000000x32xf32, #tpu.memory_space<hbm>>) target(%dma_start3A_432 : memref<128x32xf32, #tpu.memory_space<vmem>>) offsets(%dma_start3A_435 : memref<128xi32, #tpu.memory_space<vmem>>) semaphore(%arg12 : memref<!tpu.dma_semaphore, #tpu.memory_space<semaphore_mem>>)
        %mul3A_439 = arith.constant 4 : i32
        %mul3A_440 = arith.muli %add3A_425, %mul3A_439 : i32
        %add3A_441 = arith.constant 1 : i32
        %add3A_442 = arith.addi %mul3A_440, %add3A_441 : i32
        %dma_start3A_443 = arith.constant 128 : i32
        %dma_start3A_444 = arith.constant 0 : i32
        %dma_start3A_445 = tpu.memref_slice %arg7[%dma_start3A_443, %dma_start3A_444] : memref<512x32xf32, #tpu.memory_space<vmem>> -> memref<128x32xf32, #tpu.memory_space<vmem>>
        %dma_start3A_446 = arith.constant 0 : i32
        %dma_start3A_447 = tpu.memref_slice %arg6[%add3A_442, %dma_start3A_446] : memref<200x128xi32, #tpu.memory_space<vmem>> -> memref<1x128xi32, #tpu.memory_space<vmem>>
        %dma_start3A_448 = tpu.memref_squeeze %dma_start3A_447 : memref<1x128xi32, #tpu.memory_space<vmem>> -> memref<128xi32, #tpu.memory_space<vmem>>
        %dma_start3A_449 = arith.constant 0 : i32
        %dma_start3A_450 = arith.constant 0 : i32
        %dma_start3A_451 = tpu.memref_slice %arg3[%dma_start3A_449, %dma_start3A_450] : memref<1000000x32xf32, #tpu.memory_space<hbm>> -> memref<1000000x32xf32, #tpu.memory_space<hbm>>
        tpu.enqueue_indirect_dma source(%dma_start3A_451 : memref<1000000x32xf32, #tpu.memory_space<hbm>>) target(%dma_start3A_445 : memref<128x32xf32, #tpu.memory_space<vmem>>) offsets(%dma_start3A_448 : memref<128xi32, #tpu.memory_space<vmem>>) semaphore(%arg12 : memref<!tpu.dma_semaphore, #tpu.memory_space<semaphore_mem>>)
        %mul3A_452 = arith.constant 4 : i32
        %mul3A_453 = arith.muli %add3A_425, %mul3A_452 : i32
        %add3A_454 = arith.constant 2 : i32
        %add3A_455 = arith.addi %mul3A_453, %add3A_454 : i32
        %dma_start3A_456 = arith.constant 256 : i32
        %dma_start3A_457 = arith.constant 0 : i32
        %dma_start3A_458 = tpu.memref_slice %arg7[%dma_start3A_456, %dma_start3A_457] : memref<512x32xf32, #tpu.memory_space<vmem>> -> memref<128x32xf32, #tpu.memory_space<vmem>>
        %dma_start3A_459 = arith.constant 0 : i32
        %dma_start3A_460 = tpu.memref_slice %arg6[%add3A_455, %dma_start3A_459] : memref<200x128xi32, #tpu.memory_space<vmem>> -> memref<1x128xi32, #tpu.memory_space<vmem>>
        %dma_start3A_461 = tpu.memref_squeeze %dma_start3A_460 : memref<1x128xi32, #tpu.memory_space<vmem>> -> memref<128xi32, #tpu.memory_space<vmem>>
        %dma_start3A_462 = arith.constant 0 : i32
        %dma_start3A_463 = arith.constant 0 : i32
        %dma_start3A_464 = tpu.memref_slice %arg3[%dma_start3A_462, %dma_start3A_463] : memref<1000000x32xf32, #tpu.memory_space<hbm>> -> memref<1000000x32xf32, #tpu.memory_space<hbm>>
        tpu.enqueue_indirect_dma source(%dma_start3A_464 : memref<1000000x32xf32, #tpu.memory_space<hbm>>) target(%dma_start3A_458 : memref<128x32xf32, #tpu.memory_space<vmem>>) offsets(%dma_start3A_461 : memref<128xi32, #tpu.memory_space<vmem>>) semaphore(%arg12 : memref<!tpu.dma_semaphore, #tpu.memory_space<semaphore_mem>>)
        %mul3A_465 = arith.constant 4 : i32
        %mul3A_466 = arith.muli %add3A_425, %mul3A_465 : i32
        %add3A_467 = arith.constant 3 : i32
        %add3A_468 = arith.addi %mul3A_466, %add3A_467 : i32
        %dma_start3A_469 = arith.constant 384 : i32
        %dma_start3A_470 = arith.constant 0 : i32
        %dma_start3A_471 = tpu.memref_slice %arg7[%dma_start3A_469, %dma_start3A_470] : memref<512x32xf32, #tpu.memory_space<vmem>> -> memref<128x32xf32, #tpu.memory_space<vmem>>
        %dma_start3A_472 = arith.constant 0 : i32
        %dma_start3A_473 = tpu.memref_slice %arg6[%add3A_468, %dma_start3A_472] : memref<200x128xi32, #tpu.memory_space<vmem>> -> memref<1x128xi32, #tpu.memory_space<vmem>>
        %dma_start3A_474 = tpu.memref_squeeze %dma_start3A_473 : memref<1x128xi32, #tpu.memory_space<vmem>> -> memref<128xi32, #tpu.memory_space<vmem>>
        %dma_start3A_475 = arith.constant 0 : i32
        %dma_start3A_476 = arith.constant 0 : i32
        %dma_start3A_477 = tpu.memref_slice %arg3[%dma_start3A_475, %dma_start3A_476] : memref<1000000x32xf32, #tpu.memory_space<hbm>> -> memref<1000000x32xf32, #tpu.memory_space<hbm>>
        tpu.enqueue_indirect_dma source(%dma_start3A_477 : memref<1000000x32xf32, #tpu.memory_space<hbm>>) target(%dma_start3A_471 : memref<128x32xf32, #tpu.memory_space<vmem>>) offsets(%dma_start3A_474 : memref<128xi32, #tpu.memory_space<vmem>>) semaphore(%arg12 : memref<!tpu.dma_semaphore, #tpu.memory_space<semaphore_mem>>)
      } else {
      }
      %mul3A_334 = arith.constant 2 : i32
      %mul3A_335 = arith.muli %scan3A_247, %mul3A_334 : i32
      %add3A_336 = arith.constant 1 : i32
      %add3A_337 = arith.addi %mul3A_335, %add3A_336 : i32
      %dma_wait3A_338 = arith.constant 0 : i32
      %dma_wait3A_339 = arith.constant 0 : i32
      %dma_wait3A_340 = tpu.memref_slice %arg3[%dma_wait3A_338, %dma_wait3A_339] : memref<1000000x32xf32, #tpu.memory_space<hbm>> -> memref<512x32xf32, #tpu.memory_space<hbm>>
      %dma_wait3A_341 = arith.constant 0 : i32
      %dma_wait3A_342 = arith.constant 0 : i32
      %dma_wait3A_343 = tpu.memref_slice %arg3[%dma_wait3A_341, %dma_wait3A_342] : memref<1000000x32xf32, #tpu.memory_space<hbm>> -> memref<512x32xf32, #tpu.memory_space<hbm>>
      tpu.wait_dma2 semaphore(%arg13 : memref<!tpu.dma_semaphore, #tpu.memory_space<semaphore_mem>>) src(%dma_wait3A_343 : memref<512x32xf32, #tpu.memory_space<hbm>>) dst(%arg8 : memref<512x32xf32, #tpu.memory_space<vmem>>)
      %gt3A_344 = arith.constant 0 : i32
      %gt3A_345 = arith.cmpi sgt, %scan3A_247, %gt3A_344 : i32
      %convert_element_type3A_346 = arith.extui %gt3A_345 : i1 to i32
      %cond3A_347 = arith.constant 0 : i32
      %cond3A_348 = arith.cmpi ne, %convert_element_type3A_346, %cond3A_347 : i32
      scf.if %cond3A_348 {
        %dma_wait3A_424 = arith.constant 0 : i32
        %dma_wait3A_425 = arith.constant 0 : i32
        %dma_wait3A_426 = arith.constant 0 : i32
        %dma_wait3A_427 = arith.constant 0 : i32
        %dma_wait3A_428 = arith.constant 0 : i32
        %dma_wait3A_429 = tpu.memref_slice %arg10[%dma_wait3A_425, %dma_wait3A_426, %dma_wait3A_427, %dma_wait3A_428] : memref<4x4x8x129xf32, #tpu.memory_space<vmem>> -> memref<4x4x8x128xf32, #tpu.memory_space<vmem>>
        %dma_wait3A_430 = arith.constant 0 : i32
        %dma_wait3A_431 = arith.constant 0 : i32
        %dma_wait3A_432 = arith.constant 0 : i32
        %dma_wait3A_433 = arith.constant 0 : i32
        %dma_wait3A_434 = tpu.memref_slice %arg5[%dma_wait3A_430, %dma_wait3A_431, %dma_wait3A_424, %dma_wait3A_432, %dma_wait3A_433] : memref<200x4x32x8x128xf32, #tpu.memory_space<hbm>> -> memref<4x4x1x8x128xf32, #tpu.memory_space<hbm>>
        %dma_wait3A_435 = tpu.memref_squeeze %dma_wait3A_434 : memref<4x4x1x8x128xf32, #tpu.memory_space<hbm>> -> memref<4x4x8x128xf32, #tpu.memory_space<hbm>>
        %dma_wait3A_436 = arith.constant 0 : i32
        %dma_wait3A_437 = arith.constant 0 : i32
        %dma_wait3A_438 = arith.constant 0 : i32
        %dma_wait3A_439 = arith.constant 0 : i32
        %dma_wait3A_440 = tpu.memref_slice %arg5[%dma_wait3A_436, %dma_wait3A_437, %dma_wait3A_424, %dma_wait3A_438, %dma_wait3A_439] : memref<200x4x32x8x128xf32, #tpu.memory_space<hbm>> -> memref<4x4x1x8x128xf32, #tpu.memory_space<hbm>>
        %dma_wait3A_441 = tpu.memref_squeeze %dma_wait3A_440 : memref<4x4x1x8x128xf32, #tpu.memory_space<hbm>> -> memref<4x4x8x128xf32, #tpu.memory_space<hbm>>
        %dma_wait3A_442 = arith.constant 0 : i32
        %dma_wait3A_443 = arith.constant 0 : i32
        %dma_wait3A_444 = arith.constant 0 : i32
        %dma_wait3A_445 = arith.constant 0 : i32
        %dma_wait3A_446 = tpu.memref_slice %arg10[%dma_wait3A_442, %dma_wait3A_443, %dma_wait3A_444, %dma_wait3A_445] : memref<4x4x8x129xf32, #tpu.memory_space<vmem>> -> memref<4x4x8x128xf32, #tpu.memory_space<vmem>>
        tpu.wait_dma2 semaphore(%arg15 : memref<!tpu.dma_semaphore, #tpu.memory_space<semaphore_mem>>) src(%dma_wait3A_446 : memref<4x4x8x128xf32, #tpu.memory_space<vmem>>) dst(%dma_wait3A_441 : memref<4x4x8x128xf32, #tpu.memory_space<hbm>>)
      } else {
      }
      %mul3A_349 = arith.constant 4 : i32
      %mul3A_350 = arith.muli %add3A_337, %mul3A_349 : i32
      %add3A_351 = arith.constant 0 : i32
      %add3A_352 = arith.addi %mul3A_350, %add3A_351 : i32
      %get3A_353 = arith.index_cast %add3A_352 : i32 to index
      %get3A_354 = arith.constant 0 : index
      %get3A_355 = tpu.vector_load %arg11[%get3A_353, %get3A_354] {strides = array<i32>} : memref<200x32xf32, #tpu.memory_space<vmem>>, vector<16xf32>,
      %add3A_356 = arith.constant 0 : i32
      %add3A_357 = arith.addi %mul3A_350, %add3A_356 : i32
      %get3A_358 = arith.index_cast %add3A_357 : i32 to index
      %get3A_359 = arith.constant 16 : index
      %get3A_360 = tpu.vector_load %arg11[%get3A_358, %get3A_359] {strides = array<i32>} : memref<200x32xf32, #tpu.memory_space<vmem>>, vector<16xf32>,
      %add3A_361 = arith.constant 1 : i32
      %add3A_362 = arith.addi %mul3A_350, %add3A_361 : i32
      %get3A_363 = arith.index_cast %add3A_362 : i32 to index
      %get3A_364 = arith.constant 0 : index
      %get3A_365 = tpu.vector_load %arg11[%get3A_363, %get3A_364] {strides = array<i32>} : memref<200x32xf32, #tpu.memory_space<vmem>>, vector<16xf32>,
      %add3A_366 = arith.constant 1 : i32
      %add3A_367 = arith.addi %mul3A_350, %add3A_366 : i32
      %get3A_368 = arith.index_cast %add3A_367 : i32 to index
      %get3A_369 = arith.constant 16 : index
      %get3A_370 = tpu.vector_load %arg11[%get3A_368, %get3A_369] {strides = array<i32>} : memref<200x32xf32, #tpu.memory_space<vmem>>, vector<16xf32>,
      %add3A_371 = arith.constant 2 : i32
      %add3A_372 = arith.addi %mul3A_350, %add3A_371 : i32
      %get3A_373 = arith.index_cast %add3A_372 : i32 to index
      %get3A_374 = arith.constant 0 : index
      %get3A_375 = tpu.vector_load %arg11[%get3A_373, %get3A_374] {strides = array<i32>} : memref<200x32xf32, #tpu.memory_space<vmem>>, vector<16xf32>,
      %add3A_376 = arith.constant 2 : i32
      %add3A_377 = arith.addi %mul3A_350, %add3A_376 : i32
      %get3A_378 = arith.index_cast %add3A_377 : i32 to index
      %get3A_379 = arith.constant 16 : index
      %get3A_380 = tpu.vector_load %arg11[%get3A_378, %get3A_379] {strides = array<i32>} : memref<200x32xf32, #tpu.memory_space<vmem>>, vector<16xf32>,
      %add3A_381 = arith.constant 3 : i32
      %add3A_382 = arith.addi %mul3A_350, %add3A_381 : i32
      %get3A_383 = arith.index_cast %add3A_382 : i32 to index
      %get3A_384 = arith.constant 0 : index
      %get3A_385 = tpu.vector_load %arg11[%get3A_383, %get3A_384] {strides = array<i32>} : memref<200x32xf32, #tpu.memory_space<vmem>>, vector<16xf32>,
      %add3A_386 = arith.constant 3 : i32
      %add3A_387 = arith.addi %mul3A_350, %add3A_386 : i32
      %get3A_388 = arith.index_cast %add3A_387 : i32 to index
      %get3A_389 = arith.constant 16 : index
      %get3A_390 = tpu.vector_load %arg11[%get3A_388, %get3A_389] {strides = array<i32>} : memref<200x32xf32, #tpu.memory_space<vmem>>, vector<16xf32>,
      %scan3A_391 = arith.constant 0 : i32
      %scan3A_392 = arith.constant 0 : i32
      %scan3A_393 = arith.constant 32 : i32
      %scan3A_394 = arith.addi %scan3A_392, %scan3A_393 : i32
      %scan3A_395 = arith.constant 1 : i32
      scf.for %scan3A_424 = %scan3A_392 to %scan3A_394 step %scan3A_395  : i32 {
        %mul3A_425 = arith.constant 4 : i32
        %mul3A_426 = arith.muli %scan3A_424, %mul3A_425 : i32
        %add3A_427 = arith.constant 0 : i32
        %add3A_428 = arith.addi %mul3A_426, %add3A_427 : i32
        %broadcast_in_dim3A_429 = vector.broadcast %add3A_428 : i32 to vector<16xi32>
        %add3A_430 = arith.constant 0 : i32
        %add3A_431 = arith.addi %add3A_430, %add3A_428 : i32
        %get3A_432 = arith.index_cast %add3A_431 : i32 to index
        %get3A_433 = arith.constant 0 : index
        %get3A_434 = tpu.vector_load %arg8[%get3A_432, %get3A_433] {strides = array<i32>} : memref<512x32xf32, #tpu.memory_space<vmem>>, vector<16xf32>,
        %mul3A_435 = arith.constant 5.65685415 : f32
        %mul3A_436 = vector.broadcast %mul3A_435 : f32 to vector<16xf32>
        %mul3A_437 = arith.mulf %get3A_434, %mul3A_436 : vector<16xf32>
        %add3A_438 = arith.addf %mul3A_437, %get3A_355 : vector<16xf32>
        tpu.vector_store_idx %arg10[%broadcast_in_dim3A_190, %select_n3A, %select_n3A_164, %broadcast_in_dim3A_429], %add3A_438 : memref<4x4x8x129xf32, #tpu.memory_space<vmem>>[vector<16xi32>, vector<16xi32>, vector<16xi32>, vector<16xi32>], vector<16xf32>,
        %get3A_439 = arith.index_cast %add3A_431 : i32 to index
        %get3A_440 = arith.constant 16 : index
        %get3A_441 = tpu.vector_load %arg8[%get3A_439, %get3A_440] {strides = array<i32>} : memref<512x32xf32, #tpu.memory_space<vmem>>, vector<16xf32>,
        %mul3A_442 = arith.constant 5.65685415 : f32
        %mul3A_443 = vector.broadcast %mul3A_442 : f32 to vector<16xf32>
        %mul3A_444 = arith.mulf %get3A_441, %mul3A_443 : vector<16xf32>
        %add3A_445 = arith.addf %mul3A_444, %get3A_360 : vector<16xf32>
        tpu.vector_store_idx %arg10[%broadcast_in_dim3A_190, %select_n3A_141, %select_n3A_189, %broadcast_in_dim3A_429], %add3A_445 : memref<4x4x8x129xf32, #tpu.memory_space<vmem>>[vector<16xi32>, vector<16xi32>, vector<16xi32>, vector<16xi32>], vector<16xf32>,
        %add3A_446 = arith.constant 128 : i32
        %add3A_447 = arith.addi %add3A_446, %add3A_428 : i32
        %get3A_448 = arith.index_cast %add3A_447 : i32 to index
        %get3A_449 = arith.constant 0 : index
        %get3A_450 = tpu.vector_load %arg8[%get3A_448, %get3A_449] {strides = array<i32>} : memref<512x32xf32, #tpu.memory_space<vmem>>, vector<16xf32>,
        %mul3A_451 = arith.constant 5.65685415 : f32
        %mul3A_452 = vector.broadcast %mul3A_451 : f32 to vector<16xf32>
        %mul3A_453 = arith.mulf %get3A_450, %mul3A_452 : vector<16xf32>
        %add3A_454 = arith.addf %mul3A_453, %get3A_365 : vector<16xf32>
        tpu.vector_store_idx %arg10[%broadcast_in_dim3A_192, %select_n3A, %select_n3A_164, %broadcast_in_dim3A_429], %add3A_454 : memref<4x4x8x129xf32, #tpu.memory_space<vmem>>[vector<16xi32>, vector<16xi32>, vector<16xi32>, vector<16xi32>], vector<16xf32>,
        %get3A_455 = arith.index_cast %add3A_447 : i32 to index
        %get3A_456 = arith.constant 16 : index
        %get3A_457 = tpu.vector_load %arg8[%get3A_455, %get3A_456] {strides = array<i32>} : memref<512x32xf32, #tpu.memory_space<vmem>>, vector<16xf32>,
        %mul3A_458 = arith.constant 5.65685415 : f32
        %mul3A_459 = vector.broadcast %mul3A_458 : f32 to vector<16xf32>
        %mul3A_460 = arith.mulf %get3A_457, %mul3A_459 : vector<16xf32>
        %add3A_461 = arith.addf %mul3A_460, %get3A_370 : vector<16xf32>
        tpu.vector_store_idx %arg10[%broadcast_in_dim3A_192, %select_n3A_141, %select_n3A_189, %broadcast_in_dim3A_429], %add3A_461 : memref<4x4x8x129xf32, #tpu.memory_space<vmem>>[vector<16xi32>, vector<16xi32>, vector<16xi32>, vector<16xi32>], vector<16xf32>,
        %add3A_462 = arith.constant 256 : i32
        %add3A_463 = arith.addi %add3A_462, %add3A_428 : i32
        %get3A_464 = arith.index_cast %add3A_463 : i32 to index
        %get3A_465 = arith.constant 0 : index
        %get3A_466 = tpu.vector_load %arg8[%get3A_464, %get3A_465] {strides = array<i32>} : memref<512x32xf32, #tpu.memory_space<vmem>>, vector<16xf32>,
        %mul3A_467 = arith.constant 5.65685415 : f32
        %mul3A_468 = vector.broadcast %mul3A_467 : f32 to vector<16xf32>
        %mul3A_469 = arith.mulf %get3A_466, %mul3A_468 : vector<16xf32>
        %add3A_470 = arith.addf %mul3A_469, %get3A_375 : vector<16xf32>
        tpu.vector_store_idx %arg10[%broadcast_in_dim3A_194, %select_n3A, %select_n3A_164, %broadcast_in_dim3A_429], %add3A_470 : memref<4x4x8x129xf32, #tpu.memory_space<vmem>>[vector<16xi32>, vector<16xi32>, vector<16xi32>, vector<16xi32>], vector<16xf32>,
        %get3A_471 = arith.index_cast %add3A_463 : i32 to index
        %get3A_472 = arith.constant 16 : index
        %get3A_473 = tpu.vector_load %arg8[%get3A_471, %get3A_472] {strides = array<i32>} : memref<512x32xf32, #tpu.memory_space<vmem>>, vector<16xf32>,
        %mul3A_474 = arith.constant 5.65685415 : f32
        %mul3A_475 = vector.broadcast %mul3A_474 : f32 to vector<16xf32>
        %mul3A_476 = arith.mulf %get3A_473, %mul3A_475 : vector<16xf32>
        %add3A_477 = arith.addf %mul3A_476, %get3A_380 : vector<16xf32>
        tpu.vector_store_idx %arg10[%broadcast_in_dim3A_194, %select_n3A_141, %select_n3A_189, %broadcast_in_dim3A_429], %add3A_477 : memref<4x4x8x129xf32, #tpu.memory_space<vmem>>[vector<16xi32>, vector<16xi32>, vector<16xi32>, vector<16xi32>], vector<16xf32>,
        %add3A_478 = arith.constant 384 : i32
        %add3A_479 = arith.addi %add3A_478, %add3A_428 : i32
        %get3A_480 = arith.index_cast %add3A_479 : i32 to index
        %get3A_481 = arith.constant 0 : index
        %get3A_482 = tpu.vector_load %arg8[%get3A_480, %get3A_481] {strides = array<i32>} : memref<512x32xf32, #tpu.memory_space<vmem>>, vector<16xf32>,
        %mul3A_483 = arith.constant 5.65685415 : f32
        %mul3A_484 = vector.broadcast %mul3A_483 : f32 to vector<16xf32>
        %mul3A_485 = arith.mulf %get3A_482, %mul3A_484 : vector<16xf32>
        %add3A_486 = arith.addf %mul3A_485, %get3A_385 : vector<16xf32>
        tpu.vector_store_idx %arg10[%broadcast_in_dim3A_196, %select_n3A, %select_n3A_164, %broadcast_in_dim3A_429], %add3A_486 : memref<4x4x8x129xf32, #tpu.memory_space<vmem>>[vector<16xi32>, vector<16xi32>, vector<16xi32>, vector<16xi32>], vector<16xf32>,
        %get3A_487 = arith.index_cast %add3A_479 : i32 to index
        %get3A_488 = arith.constant 16 : index
        %get3A_489 = tpu.vector_load %arg8[%get3A_487, %get3A_488] {strides = array<i32>} : memref<512x32xf32, #tpu.memory_space<vmem>>, vector<16xf32>,
        %mul3A_490 = arith.constant 5.65685415 : f32
        %mul3A_491 = vector.broadcast %mul3A_490 : f32 to vector<16xf32>
        %mul3A_492 = arith.mulf %get3A_489, %mul3A_491 : vector<16xf32>
        %add3A_493 = arith.addf %mul3A_492, %get3A_390 : vector<16xf32>
        tpu.vector_store_idx %arg10[%broadcast_in_dim3A_196, %select_n3A_141, %select_n3A_189, %broadcast_in_dim3A_429], %add3A_493 : memref<4x4x8x129xf32, #tpu.memory_space<vmem>>[vector<16xi32>, vector<16xi32>, vector<16xi32>, vector<16xi32>], vector<16xf32>,
        %mul3A_494 = arith.constant 4 : i32
        %mul3A_495 = arith.muli %scan3A_424, %mul3A_494 : i32
        %add3A_496 = arith.constant 1 : i32
        %add3A_497 = arith.addi %mul3A_495, %add3A_496 : i32
        %broadcast_in_dim3A_498 = vector.broadcast %add3A_497 : i32 to vector<16xi32>
        %add3A_499 = arith.constant 0 : i32
        %add3A_500 = arith.addi %add3A_499, %add3A_497 : i32
        %get3A_501 = arith.index_cast %add3A_500 : i32 to index
        %get3A_502 = arith.constant 0 : index
        %get3A_503 = tpu.vector_load %arg8[%get3A_501, %get3A_502] {strides = array<i32>} : memref<512x32xf32, #tpu.memory_space<vmem>>, vector<16xf32>,
        %mul3A_504 = arith.constant 5.65685415 : f32
        %mul3A_505 = vector.broadcast %mul3A_504 : f32 to vector<16xf32>
        %mul3A_506 = arith.mulf %get3A_503, %mul3A_505 : vector<16xf32>
        %add3A_507 = arith.addf %mul3A_506, %get3A_355 : vector<16xf32>
        tpu.vector_store_idx %arg10[%broadcast_in_dim3A_190, %select_n3A, %select_n3A_164, %broadcast_in_dim3A_498], %add3A_507 : memref<4x4x8x129xf32, #tpu.memory_space<vmem>>[vector<16xi32>, vector<16xi32>, vector<16xi32>, vector<16xi32>], vector<16xf32>,
        %get3A_508 = arith.index_cast %add3A_500 : i32 to index
        %get3A_509 = arith.constant 16 : index
        %get3A_510 = tpu.vector_load %arg8[%get3A_508, %get3A_509] {strides = array<i32>} : memref<512x32xf32, #tpu.memory_space<vmem>>, vector<16xf32>,
        %mul3A_511 = arith.constant 5.65685415 : f32
        %mul3A_512 = vector.broadcast %mul3A_511 : f32 to vector<16xf32>
        %mul3A_513 = arith.mulf %get3A_510, %mul3A_512 : vector<16xf32>
        %add3A_514 = arith.addf %mul3A_513, %get3A_360 : vector<16xf32>
        tpu.vector_store_idx %arg10[%broadcast_in_dim3A_190, %select_n3A_141, %select_n3A_189, %broadcast_in_dim3A_498], %add3A_514 : memref<4x4x8x129xf32, #tpu.memory_space<vmem>>[vector<16xi32>, vector<16xi32>, vector<16xi32>, vector<16xi32>], vector<16xf32>,
        %add3A_515 = arith.constant 128 : i32
        %add3A_516 = arith.addi %add3A_515, %add3A_497 : i32
        %get3A_517 = arith.index_cast %add3A_516 : i32 to index
        %get3A_518 = arith.constant 0 : index
        %get3A_519 = tpu.vector_load %arg8[%get3A_517, %get3A_518] {strides = array<i32>} : memref<512x32xf32, #tpu.memory_space<vmem>>, vector<16xf32>,
        %mul3A_520 = arith.constant 5.65685415 : f32
        %mul3A_521 = vector.broadcast %mul3A_520 : f32 to vector<16xf32>
        %mul3A_522 = arith.mulf %get3A_519, %mul3A_521 : vector<16xf32>
        %add3A_523 = arith.addf %mul3A_522, %get3A_365 : vector<16xf32>
        tpu.vector_store_idx %arg10[%broadcast_in_dim3A_192, %select_n3A, %select_n3A_164, %broadcast_in_dim3A_498], %add3A_523 : memref<4x4x8x129xf32, #tpu.memory_space<vmem>>[vector<16xi32>, vector<16xi32>, vector<16xi32>, vector<16xi32>], vector<16xf32>,
        %get3A_524 = arith.index_cast %add3A_516 : i32 to index
        %get3A_525 = arith.constant 16 : index
        %get3A_526 = tpu.vector_load %arg8[%get3A_524, %get3A_525] {strides = array<i32>} : memref<512x32xf32, #tpu.memory_space<vmem>>, vector<16xf32>,
        %mul3A_527 = arith.constant 5.65685415 : f32
        %mul3A_528 = vector.broadcast %mul3A_527 : f32 to vector<16xf32>
        %mul3A_529 = arith.mulf %get3A_526, %mul3A_528 : vector<16xf32>
        %add3A_530 = arith.addf %mul3A_529, %get3A_370 : vector<16xf32>
        tpu.vector_store_idx %arg10[%broadcast_in_dim3A_192, %select_n3A_141, %select_n3A_189, %broadcast_in_dim3A_498], %add3A_530 : memref<4x4x8x129xf32, #tpu.memory_space<vmem>>[vector<16xi32>, vector<16xi32>, vector<16xi32>, vector<16xi32>], vector<16xf32>,
        %add3A_531 = arith.constant 256 : i32
        %add3A_532 = arith.addi %add3A_531, %add3A_497 : i32
        %get3A_533 = arith.index_cast %add3A_532 : i32 to index
        %get3A_534 = arith.constant 0 : index
        %get3A_535 = tpu.vector_load %arg8[%get3A_533, %get3A_534] {strides = array<i32>} : memref<512x32xf32, #tpu.memory_space<vmem>>, vector<16xf32>,
        %mul3A_536 = arith.constant 5.65685415 : f32
        %mul3A_537 = vector.broadcast %mul3A_536 : f32 to vector<16xf32>
        %mul3A_538 = arith.mulf %get3A_535, %mul3A_537 : vector<16xf32>
        %add3A_539 = arith.addf %mul3A_538, %get3A_375 : vector<16xf32>
        tpu.vector_store_idx %arg10[%broadcast_in_dim3A_194, %select_n3A, %select_n3A_164, %broadcast_in_dim3A_498], %add3A_539 : memref<4x4x8x129xf32, #tpu.memory_space<vmem>>[vector<16xi32>, vector<16xi32>, vector<16xi32>, vector<16xi32>], vector<16xf32>,
        %get3A_540 = arith.index_cast %add3A_532 : i32 to index
        %get3A_541 = arith.constant 16 : index
        %get3A_542 = tpu.vector_load %arg8[%get3A_540, %get3A_541] {strides = array<i32>} : memref<512x32xf32, #tpu.memory_space<vmem>>, vector<16xf32>,
        %mul3A_543 = arith.constant 5.65685415 : f32
        %mul3A_544 = vector.broadcast %mul3A_543 : f32 to vector<16xf32>
        %mul3A_545 = arith.mulf %get3A_542, %mul3A_544 : vector<16xf32>
        %add3A_546 = arith.addf %mul3A_545, %get3A_380 : vector<16xf32>
        tpu.vector_store_idx %arg10[%broadcast_in_dim3A_194, %select_n3A_141, %select_n3A_189, %broadcast_in_dim3A_498], %add3A_546 : memref<4x4x8x129xf32, #tpu.memory_space<vmem>>[vector<16xi32>, vector<16xi32>, vector<16xi32>, vector<16xi32>], vector<16xf32>,
        %add3A_547 = arith.constant 384 : i32
        %add3A_548 = arith.addi %add3A_547, %add3A_497 : i32
        %get3A_549 = arith.index_cast %add3A_548 : i32 to index
        %get3A_550 = arith.constant 0 : index
        %get3A_551 = tpu.vector_load %arg8[%get3A_549, %get3A_550] {strides = array<i32>} : memref<512x32xf32, #tpu.memory_space<vmem>>, vector<16xf32>,
        %mul3A_552 = arith.constant 5.65685415 : f32
        %mul3A_553 = vector.broadcast %mul3A_552 : f32 to vector<16xf32>
        %mul3A_554 = arith.mulf %get3A_551, %mul3A_553 : vector<16xf32>
        %add3A_555 = arith.addf %mul3A_554, %get3A_385 : vector<16xf32>
        tpu.vector_store_idx %arg10[%broadcast_in_dim3A_196, %select_n3A, %select_n3A_164, %broadcast_in_dim3A_498], %add3A_555 : memref<4x4x8x129xf32, #tpu.memory_space<vmem>>[vector<16xi32>, vector<16xi32>, vector<16xi32>, vector<16xi32>], vector<16xf32>,
        %get3A_556 = arith.index_cast %add3A_548 : i32 to index
        %get3A_557 = arith.constant 16 : index
        %get3A_558 = tpu.vector_load %arg8[%get3A_556, %get3A_557] {strides = array<i32>} : memref<512x32xf32, #tpu.memory_space<vmem>>, vector<16xf32>,
        %mul3A_559 = arith.constant 5.65685415 : f32
        %mul3A_560 = vector.broadcast %mul3A_559 : f32 to vector<16xf32>
        %mul3A_561 = arith.mulf %get3A_558, %mul3A_560 : vector<16xf32>
        %add3A_562 = arith.addf %mul3A_561, %get3A_390 : vector<16xf32>
        tpu.vector_store_idx %arg10[%broadcast_in_dim3A_196, %select_n3A_141, %select_n3A_189, %broadcast_in_dim3A_498], %add3A_562 : memref<4x4x8x129xf32, #tpu.memory_space<vmem>>[vector<16xi32>, vector<16xi32>, vector<16xi32>, vector<16xi32>], vector<16xf32>,
        %mul3A_563 = arith.constant 4 : i32
        %mul3A_564 = arith.muli %scan3A_424, %mul3A_563 : i32
        %add3A_565 = arith.constant 2 : i32
        %add3A_566 = arith.addi %mul3A_564, %add3A_565 : i32
        %broadcast_in_dim3A_567 = vector.broadcast %add3A_566 : i32 to vector<16xi32>
        %add3A_568 = arith.constant 0 : i32
        %add3A_569 = arith.addi %add3A_568, %add3A_566 : i32
        %get3A_570 = arith.index_cast %add3A_569 : i32 to index
        %get3A_571 = arith.constant 0 : index
        %get3A_572 = tpu.vector_load %arg8[%get3A_570, %get3A_571] {strides = array<i32>} : memref<512x32xf32, #tpu.memory_space<vmem>>, vector<16xf32>,
        %mul3A_573 = arith.constant 5.65685415 : f32
        %mul3A_574 = vector.broadcast %mul3A_573 : f32 to vector<16xf32>
        %mul3A_575 = arith.mulf %get3A_572, %mul3A_574 : vector<16xf32>
        %add3A_576 = arith.addf %mul3A_575, %get3A_355 : vector<16xf32>
        tpu.vector_store_idx %arg10[%broadcast_in_dim3A_190, %select_n3A, %select_n3A_164, %broadcast_in_dim3A_567], %add3A_576 : memref<4x4x8x129xf32, #tpu.memory_space<vmem>>[vector<16xi32>, vector<16xi32>, vector<16xi32>, vector<16xi32>], vector<16xf32>,
        %get3A_577 = arith.index_cast %add3A_569 : i32 to index
        %get3A_578 = arith.constant 16 : index
        %get3A_579 = tpu.vector_load %arg8[%get3A_577, %get3A_578] {strides = array<i32>} : memref<512x32xf32, #tpu.memory_space<vmem>>, vector<16xf32>,
        %mul3A_580 = arith.constant 5.65685415 : f32
        %mul3A_581 = vector.broadcast %mul3A_580 : f32 to vector<16xf32>
        %mul3A_582 = arith.mulf %get3A_579, %mul3A_581 : vector<16xf32>
        %add3A_583 = arith.addf %mul3A_582, %get3A_360 : vector<16xf32>
        tpu.vector_store_idx %arg10[%broadcast_in_dim3A_190, %select_n3A_141, %select_n3A_189, %broadcast_in_dim3A_567], %add3A_583 : memref<4x4x8x129xf32, #tpu.memory_space<vmem>>[vector<16xi32>, vector<16xi32>, vector<16xi32>, vector<16xi32>], vector<16xf32>,
        %add3A_584 = arith.constant 128 : i32
        %add3A_585 = arith.addi %add3A_584, %add3A_566 : i32
        %get3A_586 = arith.index_cast %add3A_585 : i32 to index
        %get3A_587 = arith.constant 0 : index
        %get3A_588 = tpu.vector_load %arg8[%get3A_586, %get3A_587] {strides = array<i32>} : memref<512x32xf32, #tpu.memory_space<vmem>>, vector<16xf32>,
        %mul3A_589 = arith.constant 5.65685415 : f32
        %mul3A_590 = vector.broadcast %mul3A_589 : f32 to vector<16xf32>
        %mul3A_591 = arith.mulf %get3A_588, %mul3A_590 : vector<16xf32>
        %add3A_592 = arith.addf %mul3A_591, %get3A_365 : vector<16xf32>
        tpu.vector_store_idx %arg10[%broadcast_in_dim3A_192, %select_n3A, %select_n3A_164, %broadcast_in_dim3A_567], %add3A_592 : memref<4x4x8x129xf32, #tpu.memory_space<vmem>>[vector<16xi32>, vector<16xi32>, vector<16xi32>, vector<16xi32>], vector<16xf32>,
        %get3A_593 = arith.index_cast %add3A_585 : i32 to index
        %get3A_594 = arith.constant 16 : index
        %get3A_595 = tpu.vector_load %arg8[%get3A_593, %get3A_594] {strides = array<i32>} : memref<512x32xf32, #tpu.memory_space<vmem>>, vector<16xf32>,
        %mul3A_596 = arith.constant 5.65685415 : f32
        %mul3A_597 = vector.broadcast %mul3A_596 : f32 to vector<16xf32>
        %mul3A_598 = arith.mulf %get3A_595, %mul3A_597 : vector<16xf32>
        %add3A_599 = arith.addf %mul3A_598, %get3A_370 : vector<16xf32>
        tpu.vector_store_idx %arg10[%broadcast_in_dim3A_192, %select_n3A_141, %select_n3A_189, %broadcast_in_dim3A_567], %add3A_599 : memref<4x4x8x129xf32, #tpu.memory_space<vmem>>[vector<16xi32>, vector<16xi32>, vector<16xi32>, vector<16xi32>], vector<16xf32>,
        %add3A_600 = arith.constant 256 : i32
        %add3A_601 = arith.addi %add3A_600, %add3A_566 : i32
        %get3A_602 = arith.index_cast %add3A_601 : i32 to index
        %get3A_603 = arith.constant 0 : index
        %get3A_604 = tpu.vector_load %arg8[%get3A_602, %get3A_603] {strides = array<i32>} : memref<512x32xf32, #tpu.memory_space<vmem>>, vector<16xf32>,
        %mul3A_605 = arith.constant 5.65685415 : f32
        %mul3A_606 = vector.broadcast %mul3A_605 : f32 to vector<16xf32>
        %mul3A_607 = arith.mulf %get3A_604, %mul3A_606 : vector<16xf32>
        %add3A_608 = arith.addf %mul3A_607, %get3A_375 : vector<16xf32>
        tpu.vector_store_idx %arg10[%broadcast_in_dim3A_194, %select_n3A, %select_n3A_164, %broadcast_in_dim3A_567], %add3A_608 : memref<4x4x8x129xf32, #tpu.memory_space<vmem>>[vector<16xi32>, vector<16xi32>, vector<16xi32>, vector<16xi32>], vector<16xf32>,
        %get3A_609 = arith.index_cast %add3A_601 : i32 to index
        %get3A_610 = arith.constant 16 : index
        %get3A_611 = tpu.vector_load %arg8[%get3A_609, %get3A_610] {strides = array<i32>} : memref<512x32xf32, #tpu.memory_space<vmem>>, vector<16xf32>,
        %mul3A_612 = arith.constant 5.65685415 : f32
        %mul3A_613 = vector.broadcast %mul3A_612 : f32 to vector<16xf32>
        %mul3A_614 = arith.mulf %get3A_611, %mul3A_613 : vector<16xf32>
        %add3A_615 = arith.addf %mul3A_614, %get3A_380 : vector<16xf32>
        tpu.vector_store_idx %arg10[%broadcast_in_dim3A_194, %select_n3A_141, %select_n3A_189, %broadcast_in_dim3A_567], %add3A_615 : memref<4x4x8x129xf32, #tpu.memory_space<vmem>>[vector<16xi32>, vector<16xi32>, vector<16xi32>, vector<16xi32>], vector<16xf32>,
        %add3A_616 = arith.constant 384 : i32
        %add3A_617 = arith.addi %add3A_616, %add3A_566 : i32
        %get3A_618 = arith.index_cast %add3A_617 : i32 to index
        %get3A_619 = arith.constant 0 : index
        %get3A_620 = tpu.vector_load %arg8[%get3A_618, %get3A_619] {strides = array<i32>} : memref<512x32xf32, #tpu.memory_space<vmem>>, vector<16xf32>,
        %mul3A_621 = arith.constant 5.65685415 : f32
        %mul3A_622 = vector.broadcast %mul3A_621 : f32 to vector<16xf32>
        %mul3A_623 = arith.mulf %get3A_620, %mul3A_622 : vector<16xf32>
        %add3A_624 = arith.addf %mul3A_623, %get3A_385 : vector<16xf32>
        tpu.vector_store_idx %arg10[%broadcast_in_dim3A_196, %select_n3A, %select_n3A_164, %broadcast_in_dim3A_567], %add3A_624 : memref<4x4x8x129xf32, #tpu.memory_space<vmem>>[vector<16xi32>, vector<16xi32>, vector<16xi32>, vector<16xi32>], vector<16xf32>,
        %get3A_625 = arith.index_cast %add3A_617 : i32 to index
        %get3A_626 = arith.constant 16 : index
        %get3A_627 = tpu.vector_load %arg8[%get3A_625, %get3A_626] {strides = array<i32>} : memref<512x32xf32, #tpu.memory_space<vmem>>, vector<16xf32>,
        %mul3A_628 = arith.constant 5.65685415 : f32
        %mul3A_629 = vector.broadcast %mul3A_628 : f32 to vector<16xf32>
        %mul3A_630 = arith.mulf %get3A_627, %mul3A_629 : vector<16xf32>
        %add3A_631 = arith.addf %mul3A_630, %get3A_390 : vector<16xf32>
        tpu.vector_store_idx %arg10[%broadcast_in_dim3A_196, %select_n3A_141, %select_n3A_189, %broadcast_in_dim3A_567], %add3A_631 : memref<4x4x8x129xf32, #tpu.memory_space<vmem>>[vector<16xi32>, vector<16xi32>, vector<16xi32>, vector<16xi32>], vector<16xf32>,
        %mul3A_632 = arith.constant 4 : i32
        %mul3A_633 = arith.muli %scan3A_424, %mul3A_632 : i32
        %add3A_634 = arith.constant 3 : i32
        %add3A_635 = arith.addi %mul3A_633, %add3A_634 : i32
        %broadcast_in_dim3A_636 = vector.broadcast %add3A_635 : i32 to vector<16xi32>
        %add3A_637 = arith.constant 0 : i32
        %add3A_638 = arith.addi %add3A_637, %add3A_635 : i32
        %get3A_639 = arith.index_cast %add3A_638 : i32 to index
        %get3A_640 = arith.constant 0 : index
        %get3A_641 = tpu.vector_load %arg8[%get3A_639, %get3A_640] {strides = array<i32>} : memref<512x32xf32, #tpu.memory_space<vmem>>, vector<16xf32>,
        %mul3A_642 = arith.constant 5.65685415 : f32
        %mul3A_643 = vector.broadcast %mul3A_642 : f32 to vector<16xf32>
        %mul3A_644 = arith.mulf %get3A_641, %mul3A_643 : vector<16xf32>
        %add3A_645 = arith.addf %mul3A_644, %get3A_355 : vector<16xf32>
        tpu.vector_store_idx %arg10[%broadcast_in_dim3A_190, %select_n3A, %select_n3A_164, %broadcast_in_dim3A_636], %add3A_645 : memref<4x4x8x129xf32, #tpu.memory_space<vmem>>[vector<16xi32>, vector<16xi32>, vector<16xi32>, vector<16xi32>], vector<16xf32>,
        %get3A_646 = arith.index_cast %add3A_638 : i32 to index
        %get3A_647 = arith.constant 16 : index
        %get3A_648 = tpu.vector_load %arg8[%get3A_646, %get3A_647] {strides = array<i32>} : memref<512x32xf32, #tpu.memory_space<vmem>>, vector<16xf32>,
        %mul3A_649 = arith.constant 5.65685415 : f32
        %mul3A_650 = vector.broadcast %mul3A_649 : f32 to vector<16xf32>
        %mul3A_651 = arith.mulf %get3A_648, %mul3A_650 : vector<16xf32>
        %add3A_652 = arith.addf %mul3A_651, %get3A_360 : vector<16xf32>
        tpu.vector_store_idx %arg10[%broadcast_in_dim3A_190, %select_n3A_141, %select_n3A_189, %broadcast_in_dim3A_636], %add3A_652 : memref<4x4x8x129xf32, #tpu.memory_space<vmem>>[vector<16xi32>, vector<16xi32>, vector<16xi32>, vector<16xi32>], vector<16xf32>,
        %add3A_653 = arith.constant 128 : i32
        %add3A_654 = arith.addi %add3A_653, %add3A_635 : i32
        %get3A_655 = arith.index_cast %add3A_654 : i32 to index
        %get3A_656 = arith.constant 0 : index
        %get3A_657 = tpu.vector_load %arg8[%get3A_655, %get3A_656] {strides = array<i32>} : memref<512x32xf32, #tpu.memory_space<vmem>>, vector<16xf32>,
        %mul3A_658 = arith.constant 5.65685415 : f32
        %mul3A_659 = vector.broadcast %mul3A_658 : f32 to vector<16xf32>
        %mul3A_660 = arith.mulf %get3A_657, %mul3A_659 : vector<16xf32>
        %add3A_661 = arith.addf %mul3A_660, %get3A_365 : vector<16xf32>
        tpu.vector_store_idx %arg10[%broadcast_in_dim3A_192, %select_n3A, %select_n3A_164, %broadcast_in_dim3A_636], %add3A_661 : memref<4x4x8x129xf32, #tpu.memory_space<vmem>>[vector<16xi32>, vector<16xi32>, vector<16xi32>, vector<16xi32>], vector<16xf32>,
        %get3A_662 = arith.index_cast %add3A_654 : i32 to index
        %get3A_663 = arith.constant 16 : index
        %get3A_664 = tpu.vector_load %arg8[%get3A_662, %get3A_663] {strides = array<i32>} : memref<512x32xf32, #tpu.memory_space<vmem>>, vector<16xf32>,
        %mul3A_665 = arith.constant 5.65685415 : f32
        %mul3A_666 = vector.broadcast %mul3A_665 : f32 to vector<16xf32>
        %mul3A_667 = arith.mulf %get3A_664, %mul3A_666 : vector<16xf32>
        %add3A_668 = arith.addf %mul3A_667, %get3A_370 : vector<16xf32>
        tpu.vector_store_idx %arg10[%broadcast_in_dim3A_192, %select_n3A_141, %select_n3A_189, %broadcast_in_dim3A_636], %add3A_668 : memref<4x4x8x129xf32, #tpu.memory_space<vmem>>[vector<16xi32>, vector<16xi32>, vector<16xi32>, vector<16xi32>], vector<16xf32>,
        %add3A_669 = arith.constant 256 : i32
        %add3A_670 = arith.addi %add3A_669, %add3A_635 : i32
        %get3A_671 = arith.index_cast %add3A_670 : i32 to index
        %get3A_672 = arith.constant 0 : index
        %get3A_673 = tpu.vector_load %arg8[%get3A_671, %get3A_672] {strides = array<i32>} : memref<512x32xf32, #tpu.memory_space<vmem>>, vector<16xf32>,
        %mul3A_674 = arith.constant 5.65685415 : f32
        %mul3A_675 = vector.broadcast %mul3A_674 : f32 to vector<16xf32>
        %mul3A_676 = arith.mulf %get3A_673, %mul3A_675 : vector<16xf32>
        %add3A_677 = arith.addf %mul3A_676, %get3A_375 : vector<16xf32>
        tpu.vector_store_idx %arg10[%broadcast_in_dim3A_194, %select_n3A, %select_n3A_164, %broadcast_in_dim3A_636], %add3A_677 : memref<4x4x8x129xf32, #tpu.memory_space<vmem>>[vector<16xi32>, vector<16xi32>, vector<16xi32>, vector<16xi32>], vector<16xf32>,
        %get3A_678 = arith.index_cast %add3A_670 : i32 to index
        %get3A_679 = arith.constant 16 : index
        %get3A_680 = tpu.vector_load %arg8[%get3A_678, %get3A_679] {strides = array<i32>} : memref<512x32xf32, #tpu.memory_space<vmem>>, vector<16xf32>,
        %mul3A_681 = arith.constant 5.65685415 : f32
        %mul3A_682 = vector.broadcast %mul3A_681 : f32 to vector<16xf32>
        %mul3A_683 = arith.mulf %get3A_680, %mul3A_682 : vector<16xf32>
        %add3A_684 = arith.addf %mul3A_683, %get3A_380 : vector<16xf32>
        tpu.vector_store_idx %arg10[%broadcast_in_dim3A_194, %select_n3A_141, %select_n3A_189, %broadcast_in_dim3A_636], %add3A_684 : memref<4x4x8x129xf32, #tpu.memory_space<vmem>>[vector<16xi32>, vector<16xi32>, vector<16xi32>, vector<16xi32>], vector<16xf32>,
        %add3A_685 = arith.constant 384 : i32
        %add3A_686 = arith.addi %add3A_685, %add3A_635 : i32
        %get3A_687 = arith.index_cast %add3A_686 : i32 to index
        %get3A_688 = arith.constant 0 : index
        %get3A_689 = tpu.vector_load %arg8[%get3A_687, %get3A_688] {strides = array<i32>} : memref<512x32xf32, #tpu.memory_space<vmem>>, vector<16xf32>,
        %mul3A_690 = arith.constant 5.65685415 : f32
        %mul3A_691 = vector.broadcast %mul3A_690 : f32 to vector<16xf32>
        %mul3A_692 = arith.mulf %get3A_689, %mul3A_691 : vector<16xf32>
        %add3A_693 = arith.addf %mul3A_692, %get3A_385 : vector<16xf32>
        tpu.vector_store_idx %arg10[%broadcast_in_dim3A_196, %select_n3A, %select_n3A_164, %broadcast_in_dim3A_636], %add3A_693 : memref<4x4x8x129xf32, #tpu.memory_space<vmem>>[vector<16xi32>, vector<16xi32>, vector<16xi32>, vector<16xi32>], vector<16xf32>,
        %get3A_694 = arith.index_cast %add3A_686 : i32 to index
        %get3A_695 = arith.constant 16 : index
        %get3A_696 = tpu.vector_load %arg8[%get3A_694, %get3A_695] {strides = array<i32>} : memref<512x32xf32, #tpu.memory_space<vmem>>, vector<16xf32>,
        %mul3A_697 = arith.constant 5.65685415 : f32
        %mul3A_698 = vector.broadcast %mul3A_697 : f32 to vector<16xf32>
        %mul3A_699 = arith.mulf %get3A_696, %mul3A_698 : vector<16xf32>
        %add3A_700 = arith.addf %mul3A_699, %get3A_390 : vector<16xf32>
        tpu.vector_store_idx %arg10[%broadcast_in_dim3A_196, %select_n3A_141, %select_n3A_189, %broadcast_in_dim3A_636], %add3A_700 : memref<4x4x8x129xf32, #tpu.memory_space<vmem>>[vector<16xi32>, vector<16xi32>, vector<16xi32>, vector<16xi32>], vector<16xf32>,
      }
      %scan3A_396 = arith.constant 32 : i32
      %dma_start3A_397 = arith.constant 0 : i32
      %dma_start3A_398 = arith.constant 0 : i32
      %dma_start3A_399 = arith.constant 0 : i32
      %dma_start3A_400 = arith.constant 0 : i32
      %dma_start3A_401 = tpu.memref_slice %arg10[%dma_start3A_397, %dma_start3A_398, %dma_start3A_399, %dma_start3A_400] : memref<4x4x8x129xf32, #tpu.memory_space<vmem>> -> memref<4x4x8x128xf32, #tpu.memory_space<vmem>>
      %dma_start3A_402 = arith.constant 0 : i32
      %dma_start3A_403 = arith.constant 0 : i32
      %dma_start3A_404 = arith.constant 0 : i32
      %dma_start3A_405 = tpu.memref_slice %arg5[%mul3A_350, %dma_start3A_402, %add3A, %dma_start3A_403, %dma_start3A_404] : memref<200x4x32x8x128xf32, #tpu.memory_space<hbm>> -> memref<4x4x1x8x128xf32, #tpu.memory_space<hbm>>
      %dma_start3A_406 = tpu.memref_squeeze %dma_start3A_405 : memref<4x4x1x8x128xf32, #tpu.memory_space<hbm>> -> memref<4x4x8x128xf32, #tpu.memory_space<hbm>>
      %dma_start3A_407 = arith.constant 0 : i32
      %dma_start3A_408 = arith.constant 0 : i32
      %dma_start3A_409 = arith.constant 0 : i32
      %dma_start3A_410 = tpu.memref_slice %arg5[%mul3A_350, %dma_start3A_407, %add3A, %dma_start3A_408, %dma_start3A_409] : memref<200x4x32x8x128xf32, #tpu.memory_space<hbm>> -> memref<4x4x1x8x128xf32, #tpu.memory_space<hbm>>
      %dma_start3A_411 = tpu.memref_squeeze %dma_start3A_410 : memref<4x4x1x8x128xf32, #tpu.memory_space<hbm>> -> memref<4x4x8x128xf32, #tpu.memory_space<hbm>>
      %dma_start3A_412 = arith.constant 0 : i32
      %dma_start3A_413 = arith.constant 0 : i32
      %dma_start3A_414 = arith.constant 0 : i32
      %dma_start3A_415 = arith.constant 0 : i32
      %dma_start3A_416 = tpu.memref_slice %arg10[%dma_start3A_412, %dma_start3A_413, %dma_start3A_414, %dma_start3A_415] : memref<4x4x8x129xf32, #tpu.memory_space<vmem>> -> memref<4x4x8x128xf32, #tpu.memory_space<vmem>>
      tpu.enqueue_dma source(%dma_start3A_416 : memref<4x4x8x128xf32, #tpu.memory_space<vmem>>) target(%dma_start3A_411 : memref<4x4x8x128xf32, #tpu.memory_space<hbm>>) target_semaphore(%arg15 : memref<!tpu.dma_semaphore, #tpu.memory_space<semaphore_mem>>)
      %add3A_417 = arith.constant 2 : i32
      %add3A_418 = arith.addi %add3A_337, %add3A_417 : i32
      %lt3A_419 = arith.constant 50 : i32
      %lt3A_420 = arith.cmpi slt, %add3A_418, %lt3A_419 : i32
      %convert_element_type3A_421 = arith.extui %lt3A_420 : i1 to i32
      %cond3A_422 = arith.constant 0 : i32
      %cond3A_423 = arith.cmpi ne, %convert_element_type3A_421, %cond3A_422 : i32
      scf.if %cond3A_423 {
        %add3A_424 = arith.constant 2 : i32
        %add3A_425 = arith.addi %add3A_337, %add3A_424 : i32
        %mul3A_426 = arith.constant 4 : i32
        %mul3A_427 = arith.muli %add3A_425, %mul3A_426 : i32
        %add3A_428 = arith.constant 0 : i32
        %add3A_429 = arith.addi %mul3A_427, %add3A_428 : i32
        %dma_start3A_430 = arith.constant 0 : i32
        %dma_start3A_431 = arith.constant 0 : i32
        %dma_start3A_432 = tpu.memref_slice %arg8[%dma_start3A_430, %dma_start3A_431] : memref<512x32xf32, #tpu.memory_space<vmem>> -> memref<128x32xf32, #tpu.memory_space<vmem>>
        %dma_start3A_433 = arith.constant 0 : i32
        %dma_start3A_434 = tpu.memref_slice %arg6[%add3A_429, %dma_start3A_433] : memref<200x128xi32, #tpu.memory_space<vmem>> -> memref<1x128xi32, #tpu.memory_space<vmem>>
        %dma_start3A_435 = tpu.memref_squeeze %dma_start3A_434 : memref<1x128xi32, #tpu.memory_space<vmem>> -> memref<128xi32, #tpu.memory_space<vmem>>
        %dma_start3A_436 = arith.constant 0 : i32
        %dma_start3A_437 = arith.constant 0 : i32
        %dma_start3A_438 = tpu.memref_slice %arg3[%dma_start3A_436, %dma_start3A_437] : memref<1000000x32xf32, #tpu.memory_space<hbm>> -> memref<1000000x32xf32, #tpu.memory_space<hbm>>
        tpu.enqueue_indirect_dma source(%dma_start3A_438 : memref<1000000x32xf32, #tpu.memory_space<hbm>>) target(%dma_start3A_432 : memref<128x32xf32, #tpu.memory_space<vmem>>) offsets(%dma_start3A_435 : memref<128xi32, #tpu.memory_space<vmem>>) semaphore(%arg13 : memref<!tpu.dma_semaphore, #tpu.memory_space<semaphore_mem>>)
        %mul3A_439 = arith.constant 4 : i32
        %mul3A_440 = arith.muli %add3A_425, %mul3A_439 : i32
        %add3A_441 = arith.constant 1 : i32
        %add3A_442 = arith.addi %mul3A_440, %add3A_441 : i32
        %dma_start3A_443 = arith.constant 128 : i32
        %dma_start3A_444 = arith.constant 0 : i32
        %dma_start3A_445 = tpu.memref_slice %arg8[%dma_start3A_443, %dma_start3A_444] : memref<512x32xf32, #tpu.memory_space<vmem>> -> memref<128x32xf32, #tpu.memory_space<vmem>>
        %dma_start3A_446 = arith.constant 0 : i32
        %dma_start3A_447 = tpu.memref_slice %arg6[%add3A_442, %dma_start3A_446] : memref<200x128xi32, #tpu.memory_space<vmem>> -> memref<1x128xi32, #tpu.memory_space<vmem>>
        %dma_start3A_448 = tpu.memref_squeeze %dma_start3A_447 : memref<1x128xi32, #tpu.memory_space<vmem>> -> memref<128xi32, #tpu.memory_space<vmem>>
        %dma_start3A_449 = arith.constant 0 : i32
        %dma_start3A_450 = arith.constant 0 : i32
        %dma_start3A_451 = tpu.memref_slice %arg3[%dma_start3A_449, %dma_start3A_450] : memref<1000000x32xf32, #tpu.memory_space<hbm>> -> memref<1000000x32xf32, #tpu.memory_space<hbm>>
        tpu.enqueue_indirect_dma source(%dma_start3A_451 : memref<1000000x32xf32, #tpu.memory_space<hbm>>) target(%dma_start3A_445 : memref<128x32xf32, #tpu.memory_space<vmem>>) offsets(%dma_start3A_448 : memref<128xi32, #tpu.memory_space<vmem>>) semaphore(%arg13 : memref<!tpu.dma_semaphore, #tpu.memory_space<semaphore_mem>>)
        %mul3A_452 = arith.constant 4 : i32
        %mul3A_453 = arith.muli %add3A_425, %mul3A_452 : i32
        %add3A_454 = arith.constant 2 : i32
        %add3A_455 = arith.addi %mul3A_453, %add3A_454 : i32
        %dma_start3A_456 = arith.constant 256 : i32
        %dma_start3A_457 = arith.constant 0 : i32
        %dma_start3A_458 = tpu.memref_slice %arg8[%dma_start3A_456, %dma_start3A_457] : memref<512x32xf32, #tpu.memory_space<vmem>> -> memref<128x32xf32, #tpu.memory_space<vmem>>
        %dma_start3A_459 = arith.constant 0 : i32
        %dma_start3A_460 = tpu.memref_slice %arg6[%add3A_455, %dma_start3A_459] : memref<200x128xi32, #tpu.memory_space<vmem>> -> memref<1x128xi32, #tpu.memory_space<vmem>>
        %dma_start3A_461 = tpu.memref_squeeze %dma_start3A_460 : memref<1x128xi32, #tpu.memory_space<vmem>> -> memref<128xi32, #tpu.memory_space<vmem>>
        %dma_start3A_462 = arith.constant 0 : i32
        %dma_start3A_463 = arith.constant 0 : i32
        %dma_start3A_464 = tpu.memref_slice %arg3[%dma_start3A_462, %dma_start3A_463] : memref<1000000x32xf32, #tpu.memory_space<hbm>> -> memref<1000000x32xf32, #tpu.memory_space<hbm>>
        tpu.enqueue_indirect_dma source(%dma_start3A_464 : memref<1000000x32xf32, #tpu.memory_space<hbm>>) target(%dma_start3A_458 : memref<128x32xf32, #tpu.memory_space<vmem>>) offsets(%dma_start3A_461 : memref<128xi32, #tpu.memory_space<vmem>>) semaphore(%arg13 : memref<!tpu.dma_semaphore, #tpu.memory_space<semaphore_mem>>)
        %mul3A_465 = arith.constant 4 : i32
        %mul3A_466 = arith.muli %add3A_425, %mul3A_465 : i32
        %add3A_467 = arith.constant 3 : i32
        %add3A_468 = arith.addi %mul3A_466, %add3A_467 : i32
        %dma_start3A_469 = arith.constant 384 : i32
        %dma_start3A_470 = arith.constant 0 : i32
        %dma_start3A_471 = tpu.memref_slice %arg8[%dma_start3A_469, %dma_start3A_470] : memref<512x32xf32, #tpu.memory_space<vmem>> -> memref<128x32xf32, #tpu.memory_space<vmem>>
        %dma_start3A_472 = arith.constant 0 : i32
        %dma_start3A_473 = tpu.memref_slice %arg6[%add3A_468, %dma_start3A_472] : memref<200x128xi32, #tpu.memory_space<vmem>> -> memref<1x128xi32, #tpu.memory_space<vmem>>
        %dma_start3A_474 = tpu.memref_squeeze %dma_start3A_473 : memref<1x128xi32, #tpu.memory_space<vmem>> -> memref<128xi32, #tpu.memory_space<vmem>>
        %dma_start3A_475 = arith.constant 0 : i32
        %dma_start3A_476 = arith.constant 0 : i32
        %dma_start3A_477 = tpu.memref_slice %arg3[%dma_start3A_475, %dma_start3A_476] : memref<1000000x32xf32, #tpu.memory_space<hbm>> -> memref<1000000x32xf32, #tpu.memory_space<hbm>>
        tpu.enqueue_indirect_dma source(%dma_start3A_477 : memref<1000000x32xf32, #tpu.memory_space<hbm>>) target(%dma_start3A_471 : memref<128x32xf32, #tpu.memory_space<vmem>>) offsets(%dma_start3A_474 : memref<128xi32, #tpu.memory_space<vmem>>) semaphore(%arg13 : memref<!tpu.dma_semaphore, #tpu.memory_space<semaphore_mem>>)
      } else {
      }
    }
    %scan3A_201 = arith.constant 25 : i32
    %dma_wait3A = arith.constant 0 : i32
    %dma_wait3A_202 = arith.constant 0 : i32
    %dma_wait3A_203 = arith.constant 0 : i32
    %dma_wait3A_204 = arith.constant 0 : i32
    %dma_wait3A_205 = arith.constant 0 : i32
    %dma_wait3A_206 = tpu.memref_slice %arg9[%dma_wait3A_202, %dma_wait3A_203, %dma_wait3A_204, %dma_wait3A_205] : memref<4x4x8x129xf32, #tpu.memory_space<vmem>> -> memref<4x4x8x128xf32, #tpu.memory_space<vmem>>
    %dma_wait3A_207 = arith.constant 0 : i32
    %dma_wait3A_208 = arith.constant 0 : i32
    %dma_wait3A_209 = arith.constant 0 : i32
    %dma_wait3A_210 = arith.constant 0 : i32
    %dma_wait3A_211 = tpu.memref_slice %arg5[%dma_wait3A_207, %dma_wait3A_208, %dma_wait3A, %dma_wait3A_209, %dma_wait3A_210] : memref<200x4x32x8x128xf32, #tpu.memory_space<hbm>> -> memref<4x4x1x8x128xf32, #tpu.memory_space<hbm>>
    %dma_wait3A_212 = tpu.memref_squeeze %dma_wait3A_211 : memref<4x4x1x8x128xf32, #tpu.memory_space<hbm>> -> memref<4x4x8x128xf32, #tpu.memory_space<hbm>>
    %dma_wait3A_213 = arith.constant 0 : i32
    %dma_wait3A_214 = arith.constant 0 : i32
    %dma_wait3A_215 = arith.constant 0 : i32
    %dma_wait3A_216 = arith.constant 0 : i32
    %dma_wait3A_217 = tpu.memref_slice %arg5[%dma_wait3A_213, %dma_wait3A_214, %dma_wait3A, %dma_wait3A_215, %dma_wait3A_216] : memref<200x4x32x8x128xf32, #tpu.memory_space<hbm>> -> memref<4x4x1x8x128xf32, #tpu.memory_space<hbm>>
    %dma_wait3A_218 = tpu.memref_squeeze %dma_wait3A_217 : memref<4x4x1x8x128xf32, #tpu.memory_space<hbm>> -> memref<4x4x8x128xf32, #tpu.memory_space<hbm>>
    %dma_wait3A_219 = arith.constant 0 : i32
    %dma_wait3A_220 = arith.constant 0 : i32
    %dma_wait3A_221 = arith.constant 0 : i32
    %dma_wait3A_222 = arith.constant 0 : i32
    %dma_wait3A_223 = tpu.memref_slice %arg9[%dma_wait3A_219, %dma_wait3A_220, %dma_wait3A_221, %dma_wait3A_222] : memref<4x4x8x129xf32, #tpu.memory_space<vmem>> -> memref<4x4x8x128xf32, #tpu.memory_space<vmem>>
    tpu.wait_dma2 semaphore(%arg14 : memref<!tpu.dma_semaphore, #tpu.memory_space<semaphore_mem>>) src(%dma_wait3A_223 : memref<4x4x8x128xf32, #tpu.memory_space<vmem>>) dst(%dma_wait3A_218 : memref<4x4x8x128xf32, #tpu.memory_space<hbm>>)
    %dma_wait3A_224 = arith.constant 0 : i32
    %dma_wait3A_225 = arith.constant 0 : i32
    %dma_wait3A_226 = arith.constant 0 : i32
    %dma_wait3A_227 = arith.constant 0 : i32
    %dma_wait3A_228 = arith.constant 0 : i32
    %dma_wait3A_229 = tpu.memref_slice %arg10[%dma_wait3A_225, %dma_wait3A_226, %dma_wait3A_227, %dma_wait3A_228] : memref<4x4x8x129xf32, #tpu.memory_space<vmem>> -> memref<4x4x8x128xf32, #tpu.memory_space<vmem>>
    %dma_wait3A_230 = arith.constant 0 : i32
    %dma_wait3A_231 = arith.constant 0 : i32
    %dma_wait3A_232 = arith.constant 0 : i32
    %dma_wait3A_233 = arith.constant 0 : i32
    %dma_wait3A_234 = tpu.memref_slice %arg5[%dma_wait3A_230, %dma_wait3A_231, %dma_wait3A_224, %dma_wait3A_232, %dma_wait3A_233] : memref<200x4x32x8x128xf32, #tpu.memory_space<hbm>> -> memref<4x4x1x8x128xf32, #tpu.memory_space<hbm>>
    %dma_wait3A_235 = tpu.memref_squeeze %dma_wait3A_234 : memref<4x4x1x8x128xf32, #tpu.memory_space<hbm>> -> memref<4x4x8x128xf32, #tpu.memory_space<hbm>>
    %dma_wait3A_236 = arith.constant 0 : i32
    %dma_wait3A_237 = arith.constant 0 : i32
    %dma_wait3A_238 = arith.constant 0 : i32
    %dma_wait3A_239 = arith.constant 0 : i32
    %dma_wait3A_240 = tpu.memref_slice %arg5[%dma_wait3A_236, %dma_wait3A_237, %dma_wait3A_224, %dma_wait3A_238, %dma_wait3A_239] : memref<200x4x32x8x128xf32, #tpu.memory_space<hbm>> -> memref<4x4x1x8x128xf32, #tpu.memory_space<hbm>>
    %dma_wait3A_241 = tpu.memref_squeeze %dma_wait3A_240 : memref<4x4x1x8x128xf32, #tpu.memory_space<hbm>> -> memref<4x4x8x128xf32, #tpu.memory_space<hbm>>
    %dma_wait3A_242 = arith.constant 0 : i32
    %dma_wait3A_243 = arith.constant 0 : i32
    %dma_wait3A_244 = arith.constant 0 : i32
    %dma_wait3A_245 = arith.constant 0 : i32
    %dma_wait3A_246 = tpu.memref_slice %arg10[%dma_wait3A_242, %dma_wait3A_243, %dma_wait3A_244, %dma_wait3A_245] : memref<4x4x8x129xf32, #tpu.memory_space<vmem>> -> memref<4x4x8x128xf32, #tpu.memory_space<vmem>>
    tpu.wait_dma2 semaphore(%arg15 : memref<!tpu.dma_semaphore, #tpu.memory_space<semaphore_mem>>) src(%dma_wait3A_246 : memref<4x4x8x128xf32, #tpu.memory_space<vmem>>) dst(%dma_wait3A_241 : memref<4x4x8x128xf32, #tpu.memory_space<hbm>>)
    return
  }
}

</mosaic_0001>

<sc_bundles>
// kernel: _embed.3.cloned.1.call-start
scs
__scs_entry_jumppad:
0x0: {  	(pc) =	sbr.rel $0x88, $3  }
0x1: {  	(tag) =	ssettag $0x0;
	lr =	simm.s32 $0x1  }
0x2: {  	[smem:$0x3F9E] =	sst lr;
	_ =	strace $0xD0000000  }
0x3: {  	_ = 	snop  }
0x4: {  	_ = 	snop  }
0x5: {  	_ = 	snop  }
0x6: {  	_ = 	snop  }
0x7: {  	_ = 	snop  }
__scs_overlays_trampoline_lowered:
0x8: {  	[smem:$0x3FAD] =	sst s0  }
0x9: {  	[smem:$0x3FAE] =	sst s1  }
0xa: {  	[smem:$0x3FAF] =	sst s2  }
0xb: {  	[smem:$0x3FB0] =	sst s3  }
0xc: {  	[smem:$0x3FB1] =	sst s4  }
0xd: {  	[smem:$0x3FB2] =	sst s5  }
0xe: {  	[smem:$0x3FB3] =	sst s6  }
0xf: {  	[smem:$0x3FB4] =	sst s7  }
0x10: {  	[smem:$0x3FB5] =	sst s8  }
0x11: {  	[smem:$0x3FB6] =	sst s9;
	s0 =	simm.s32 @!p0 $0x0  }
0x12: {  	s1 =	sld [smem:$0x3F9C];
	s0 =	simm.s32 @p0 $0x1  }
0x13: {  	[smem:$0x3FB7] =	sst s0;
	s0 =	simm.s32 @!p1 $0x0  }
0x14: {  	s2 =	sld [smem:$0x3F9B];
	s0 =	simm.s32 @p1 $0x1  }
0x15: {  	[smem:$0x3FB8] =	sst s0;
	s0 =	simm.s32 @!p2 $0x0  }
0x16: {  	s3 =	sld [smem:$0x3FDB];
	s0 =	simm.s32 @p2 $0x1  }
0x17: {  	s4 =	simm.s32 $0x1BF5;
	[smem:$0x3FBA] =	sst s0  }
0x18: {  	s0 =	sld [smem:$0x3F9D];
	_ =	swait.ge [sflag:s4], $0x0  }
0x19: {  	s7 =	sld [smem:$0x3F9E]  }
0x1a: {  	s8 =	sadd.s32 $0xFFFFE003, lr  }
0x1b: {  	s9 =	sadd.s32 $0xFFFFFEF7, lr;
	s5 =	simm.s32 $0xFFFFFFFF;
	p2 =	slt.u32 s8, $0xFFFFF086  }
0x1c: {  	p1 =	slt.u32 s9, $0xF7A;
	s5 =	simm.s32 @!p2 $0x0  }
0x1d: {  	s5 =	simm.s32 @p1 $0x1;
	p0 =	seq.s32 s7, s2  }
0x1e: {  	s7 =	smul.u32 @!p0 $0xF7A, s2;
	p2 =	seq.s32 @!p0 s5, $0x0  }
0x1f: {  	s9 =	smul.u32 $0xF7A, s1;
	s8 =	simm.s32 @!p0 $0x1BF5;
	p2 =	por !p2, p0  }
0x20: {  	[sflag:s8] =	ssyncset.s32 @!p0 $0xFFFFF086;
	s6 =	sadd.s32 @!p0 s3, s7;
	s7 =	simm.s32 @!p0 $0x108  }
0x21: {  	s3 =	sadd.s32 s3, s9;
	s6 =	sadd.s32 @!p0 $0x88, s6;
	s7 =	simm.s32 @p2 $0x1082  }
0x22: {  	[simem:s7], [sflag:s8] =	dma.local @!p0 [hbm:s6], $0xF7A  }
0x23: {  	s9 =	sor.u32 $0xD0000000, s2;
	s6 =	simm.s32 $0x108;
	_ =	swait.ge @!p0 [sflag:s8], $0x0  }
0x24: {  	s3 =	sadd.s32 $0x88, s3;
	s6 =	simm.s32 @!p1 $0x1082;
	[sflag:s4] =	ssyncset.s32 $0xFFFFF086  }
0x25: {  	[simem:s6], [sflag:s4] =	dma.local [hbm:s3], $0xF7A  }
0x26: {  	[smem:$0x3F9E] =	sst s1;
	(tag) =	ssettag s2;
	_ =	strace s9  }
0x27: {  	s1 =	sld [smem:$0x3FAE]  }
0x28: {  	s2 =	sld [smem:$0x3FAF]  }
0x29: {  	s4 =	sld [smem:$0x3FB1]  }
0x2a: {  	p0 =	seq.s32 s5, $0x0;
	s5 =	sld [smem:$0x3FB2]  }
0x2b: {  	s6 =	sld [smem:$0x3FB3]  }
0x2c: {  	s7 =	sld [smem:$0x3FB4]  }
0x2d: {  	s3 =	simm.s32 $0x108;
	s8 =	sld [smem:$0x3FB5]  }
0x2e: {  	s3 =	simm.s32 @!p0 $0x1082;
	s9 =	sld [smem:$0x3FB6]  }
0x2f: {  	lr =	sadd.s32 s0, s3;
	s0 =	sld [smem:$0x3FAD]  }
0x30: {  	s3 =	sld [smem:$0x3FB0]  }
0x31: {  	[smem:$0x3FB9] =	sst s10  }
0x32: {  	s10 =	sld [smem:$0x3FB7];
	_ =	sdelay $0x3  }
0x33: {  	p0 =	seq.s32 s10, $0x1;
	s10 =	sld [smem:$0x3FB9];
	_ =	sdelay $0x3  }
0x34: {  	[smem:$0x3FB9] =	sst s10  }
0x35: {  	s10 =	sld [smem:$0x3FB8];
	_ =	sdelay $0x3  }
0x36: {  	p1 =	seq.s32 s10, $0x1;
	s10 =	sld [smem:$0x3FB9];
	_ =	sdelay $0x3  }
0x37: {  	[smem:$0x3FB9] =	sst s10  }
0x38: {  	s10 =	sld [smem:$0x3FBA]  }
0x39: {  	_ = 	snop;
	(pc) =	sbr.ind lr, $3  }
0x3a: {  	_ = 	snop  }
0x3b: {  	_ = 	snop  }
0x3c: {  	p2 =	seq.s32 s10, $0x1;
	s10 =	sld [smem:$0x3FB9]  }
0x3d: {  	_ =	shalt  }
0x3e: {  	_ =	shalt  }
0x3f: {  	_ =	shalt  }
0x40: {  	_ =	shalt  }
0x41: {  	_ =	shalt  }
0x42: {  	_ =	shalt  }
0x43: {  	_ =	shalt  }
0x44: {  	_ =	shalt  }
0x45: {  	_ =	shalt  }
0x46: {  	_ =	shalt  }
0x47: {  	_ =	shalt  }
0x48: {  	_ =	shalt  }
0x49: {  	_ =	shalt  }
0x4a: {  	_ =	shalt  }
0x4b: {  	_ =	shalt  }
0x4c: {  	_ =	shalt  }
0x4d: {  	_ =	shalt  }
0x4e: {  	_ =	shalt  }
0x4f: {  	_ =	shalt  }
0x50: {  	_ =	shalt  }
0x51: {  	_ =	shalt  }
0x52: {  	_ =	shalt  }
0x53: {  	_ =	shalt  }
0x54: {  	_ =	shalt  }
0x55: {  	_ =	shalt  }
0x56: {  	_ =	shalt  }
0x57: {  	_ =	shalt  }
0x58: {  	_ =	shalt  }
0x59: {  	_ =	shalt  }
0x5a: {  	_ =	shalt  }
0x5b: {  	_ =	shalt  }
0x5c: {  	_ =	shalt  }
0x5d: {  	_ =	shalt  }
0x5e: {  	_ =	shalt  }
0x5f: {  	_ =	shalt  }
0x60: {  	_ =	shalt  }
0x61: {  	_ =	shalt  }
0x62: {  	_ =	shalt  }
0x63: {  	_ =	shalt  }
0x64: {  	_ =	shalt  }
0x65: {  	_ =	shalt  }
0x66: {  	_ =	shalt  }
0x67: {  	_ =	shalt  }
0x68: {  	_ =	shalt  }
0x69: {  	_ =	shalt  }
0x6a: {  	_ =	shalt  }
0x6b: {  	_ =	shalt  }
0x6c: {  	_ =	shalt  }
0x6d: {  	_ =	shalt  }
0x6e: {  	_ =	shalt  }
0x6f: {  	_ =	shalt  }
0x70: {  	_ =	shalt  }
0x71: {  	_ =	shalt  }
0x72: {  	_ =	shalt  }
0x73: {  	_ =	shalt  }
0x74: {  	_ =	shalt  }
0x75: {  	_ =	shalt  }
0x76: {  	_ =	shalt  }
0x77: {  	_ =	shalt  }
0x78: {  	_ =	shalt  }
0x79: {  	_ =	shalt  }
0x7a: {  	_ =	shalt  }
0x7b: {  	_ =	shalt  }
0x7c: {  	_ =	shalt  }
0x7d: {  	_ =	shalt  }
0x7e: {  	_ =	shalt  }
0x7f: {  	_ =	shalt  }
0x80: {  	_ =	shalt  }
0x81: {  	_ =	shalt  }
0x82: {  	_ =	shalt  }
0x83: {  	_ =	shalt  }
0x84: {  	_ =	shalt  }
0x85: {  	_ =	shalt  }
0x86: {  	_ =	shalt  }
0x87: {  	_ =	shalt  }
.Lfunc_end0:
.L_simem_size_0:
called_computation_lowered:
.L_overlay_start_0:
0x88: {  	s2 =	sld [smem:$0x3FD9]  }
0x89: {  	s3 =	sld [smem:$0x3FFE];
	_ =	sdelay $0x1  }
0x8a: {  	s1 =	srdreg.scid  }
0x8b: {  	s0 =	sand.u32 $0x1, s1  }
0x8c: {  	s17 =	sshll.u32 s0, $0xA;
	s2 =	sadd.s32 s3, s2  }
0x8d: {  	s2 =	sadd.s32 s2, s17  }
0x8e: {  	[smem:$0x3FC5] =	sst s2  }
0x8f: {  	_ = 	snop  }
0x90: {  	s2 =	sld [smem:$0x3FD0];
	(tm) =	ssettm $0x1  }
0x91: {  	s18 =	sld [smem:$0x3FFB];
	_ =	sdelay $0x3  }
0x92: {  	_ =	strace s18  }
0x93: {  	s3 =	sld [smem:$0x3FFC];
	_ =	sdelay $0x3  }
0x94: {  	_ =	strace s3  }
0x95: {  	s3 =	sld [smem:$0x3FFD];
	_ =	sdelay $0x3  }
0x96: {  	_ =	strace s3  }
0x97: {  	_ =	strace $0x8FFFFFFF  }
0x98: {  	s19 =	sld [smem:$0x3FDB];
	_ =	sdelay $0x1  }
0x99: {  	s4 =	simm.s32 $_scs_section_size  }
0x9a: {  	s5 =	simm.s32 $_size__tile_overlayer_lowered;
	s6 =	simm.s32 $_tile_overlayer_lowered  }
0x9b: {  	s22 =	simm.s32 $0x1BFF;
	s21 =	sshll.u32 s6, $0x1;
	s3 =	sadd.s32 s4, s19  }
0x9c: {  	s7 =	simm.s32 $0x0;
	s20 =	sshll.u32 s5, $0x1;
	s5 =	sadd.s32 s21, s3  }
0x9d: {  	[timem:s7], [sflag:s22] =	dma.local [hbm:s5], s20  }
0x9e: {  	_ =	swait.ge [sflag:s22], s20  }
0x9f: {  	s4 =	ssub.s32 $0x0, s20;
	[sflag:s22] =	ssyncset.done $0x0  }
0xa0: {  	[sflag:s22] =	ssyncadd.s32 s4;
	_ =	sdelay $0x1  }
0xa1: {  	s23 =	simm.s32 $0x1B8B  }
0xa2: {  	_ =	swait.ge [sflag:s23], $0x1  }
0xa3: {  	[sflag:s23] =	ssyncset.done $0x0  }
0xa4: {  	s25 =	simm.s32 $0x1B8E;
	s24 =	sld [smem:$0x3FFE];
	[sflag:s23] =	ssyncadd.s32 $0xFFFFFFFF  }
0xa5: {  	s26 =	simm.s32 $execute0_lowered;
	[smem:$0x3FD2] =	sst s25  }
0xa6: {  	s5 =	sshll.u32 s26, $0x1;
	_ =	strace $0x80000046;
	[dreg:$0x1] =	wrdreg $0xFFFFFFFF  }
0xa7: {  	s28 =	simm.s32 $_size_execute0_lowered;
	s3 =	sadd.s32 s3, s5;
	[dreg:$0x0] =	wrdreg $0x0  }
0xa8: {  	s5 =	sshll.u32 s28, $0x1;
	[dreg:$0x2] =	wrdreg s3  }
0xa9: {  	[dreg:$0x3] =	wrdreg s5  }
0xaa: {  	[dreg:$0x4] =	wrdreg $0xC0  }
0xab: {  	_ =	task [dreg:s7], $0x5FFFF  }
0xac: {  	[dreg:$0x1] =	wrdreg $0xFFFFFFFF  }
0xad: {  	[dreg:$0x0] =	wrdreg $0x60  }
0xae: {  	[dreg:$0x2] =	wrdreg s24  }
0xaf: {  	[dreg:$0x3] =	wrdreg s2  }
0xb0: {  	[dreg:$0x4] =	wrdreg $0x9  }
0xb1: {  	_ =	task.clear_ibuf [dreg:s7], $0x5FFFF;
	_ =	strace $0x90000046  }
0xb2: {  	s29 =	simm.s32 $0x9;
	_ =	strace $0x80000048  }
0xb3: {  	_ =	swait.ge [sflag:s29], $0x1  }
0xb4: {  	[sflag:s29] =	ssyncadd.s32 $0xFFFFFFFF  }
0xb5: {  	_ =	strace $0x90000048  }
0xb6: {  	_ =	sfence  }
0xb7: {  	s30 =	sld [smem:$0x0];
	_ =	sdelay $0x2  }
0xb8: {  	s31 =	sshll.u32 s1, $0xD;
	s1 =	sshrl.u32 s1, $0x2  }
0xb9: {  	s3 =	sand.u32 $0x4000, s31;
	s1 =	sadd.s32 s1, s30  }
0xba: {  	s0 =	sor.u32 s3, s0;
	s1 =	sshll.u32 s1, $0x11  }
0xbb: {  	s0 =	sor.u32 s1, s0  }
0xbc: {  	s0 =	sadd.s32 $0x8F2B, s0  }
0xbd: {  	[sflag:s0] =	ssyncadd.remote.s32 $0x1  }
0xbe: {  	_ =	sfence.sel $0xFFFF  }
0xbf: {  	[dreg:$0x0] =	wrdreg $0xFFFFFFFF;
	(pc) =	sbr.abs _section_cstart, $3  }
0xc0: {  	[dreg:$0x1] =	wrdreg $0xFFFFFFFF  }
0xc1: {  	_ =	task.clear_ibuf [dreg:s7], $0x2FFFF;
	_ =	strace $0x9FFFFFFF  }
0xc2: {  	(tm) =	ssettm $0x7FFFFFFF  }
0xc3: {  	_ =	shalt  }
tec
execute0_lowered:
.L_overlay_start_1:
0x0: {  	(tag) =	ssettag $0x1  }
0x1: {  	s0 =	rddreg [dreg:$0x0]  }
0x2: {  	s2 =	rddreg [dreg:$0x1]  }
0x3: {  	s1 =	srdreg.scid;
	s4 =	stileid.u32  }
0x4: {  	s3 =	simm.s32 $0x0;
	s10 =	simm.s32 $0x5;
	s11 =	simm.s32 $0x80  }
0x5: {  	s13 =	simm.s32 $0x6400;
	s14 =	simm.s32 $0x7400;
	s16 =	simm.s32 $0x8400  }
0x6: {  	s18 =	simm.s32 $0x9400;
	s20 =	simm.s32 $0xA400;
	s22 =	simm.s32 $0xB400  }
0x7: {  	s24 =	simm.s32 $0xC400;
	s28 =	simm.s32 $0x1;
	s29 =	simm.s32 $0xE400  }
0x8: {  	s30 =	simm.s32 $0x2;
	s31 =	simm.s32 $0x4;
	s9 =	simm.s32 $0x0  }
0x9: {  	s1 =	sand.u32 $0x1, s1;
	s4 =	sshll.u32 s4, $0x1;
	[smem:$0x7FF] =	sst s3  }
0xa: {  	v0 =	vlaneseq.u32;
	s5 =	sor.u32 s1, s4;
	_ =	strace $0x80000047;
	s1 =	ssub.s32 $0x2, s1  }
.Ltmp0:
0xb: {  	v0 =	vmul.u32 $0x88, v0;
	s4 =	sshll.u32 s5, $0x4;
	s7 =	sshrl.u32 s1, $0x1;
	(pc) =	sbr.rel .LBB2_1-.Ltmp0, $4  }
0xc: {  	s6 =	sadd.s32 s4, s0;
	s4 =	sadd.s32 $0xF42C00, s0;
	s0 =	sadd.s32 $0x19800, s0  }
0xd: {  	v1 =	vadd.s32 $0x880, v0;
	s25 =	ssub.s32 s1, s7;
	s7 =	sshll.u32 s5, $0xA;
	s1 =	simm.s32 $0x3  }
0xe: {  	v2 =	vadd.s32 $0x1100, v0;
	v3 =	vadd.s32 $0x1980, v0;
	v4 =	vadd.s32 $0x2200, v0;
	[dreg:$0x3] =	wrdreg s0;
	s26 =	sadd.s32 $0x800, s6;
	s8 =	smax.u32 s25, $0x1  }
0xf: {  	v5 =	vadd.s32 $0x2A80, v0;
	v6 =	vadd.s32 $0x3300, v0;
	v7 =	vadd.s32 $0x3B80, v0;
	s0 =	simm.s32 $0x12800;
	[dreg:$0x4] =	wrdreg s26;
	s26 =	simm.s32 $0xD400  }
.LBB2_16:
0x10: {  	s9 =	sadd.s32 $0x1, s9  }
0x11: {  	_ =	swait.ge [sflag:s1], $0x4000;
	p0 =	sne.s32 s9, s8  }
.Ltmp1:
0x12: {  	[sflag:s1] =	ssyncset.done $0x0;
	(pc) =	sbr.rel @!p0 .LBB2_17-.Ltmp1, $4  }
0x13: {  	[sflag:s1] =	ssyncadd.s32 $0xFFFFC000  }
0x14: {  	_ =	swait.ge [sflag:s31], $0x4000  }
0x15: {  	[sflag:s31] =	ssyncset.done $0x0  }
0x16: {  	[sflag:s31] =	ssyncadd.s32 $0xFFFFC000  }
.LBB2_1:
0x17: {  	s5 =	rddreg [dreg:$0x3];
	s6 =	simm.s32 $0x16C00  }
0x18: {  	[tilespmem:s6], [sflag:$0x5] =	stream.linear.gather [hbm4b:s5+s3], $0x1900, $0x38;
	[tilespmem:$0x18500] =	vst v63  }
0x19: {  	_ =	swait.ge [sflag:s10], $0x1900  }
0x1a: {  	[sflag:s10] =	ssyncset.done $0x0  }
0x1b: {  	s12 =	simm.s32 $0x1000;
	s6 =	rddreg [dreg:$0x4];
	[sflag:s10] =	ssyncadd.s32 $0xFFFFE700  }
0x1c: {  	[tilespmem:s3], [sflag:$0x5] =	stream.strided.gather [hbm4b:s6+s11], $0x6400, s12, s11, $0x38;
	[tilespmem:$0x18500] =	vst v63  }
0x1d: {  	_ =	swait.ge [sflag:s10], $0x6400  }
0x1e: {  	[sflag:s10] =	ssyncset.done $0x0  }
0x1f: {  	[sflag:s10] =	ssyncadd.s32 $0xFFFF9C00  }
0x20: {  	[tilespmem:s13], [sflag:$0x1] =	stream.indirect.gather [hbm4b:s4+s11], $0x20, s3, s11, $0xb8;
	[tilespmem:$0x18500] =	vst v63  }
0x21: {  	_ = 	snop  }
0x22: {  	[tilespmem:s14], [sflag:$0x1] =	stream.indirect.gather [hbm4b:s4+s11], $0x20, s11, s11, $0xb8;
	[tilespmem:$0x18500] =	vst v63  }
0x23: {  	s15 =	simm.s32 $0x100  }
0x24: {  	[tilespmem:s16], [sflag:$0x1] =	stream.indirect.gather [hbm4b:s4+s11], $0x20, s15, s11, $0xb8;
	[tilespmem:$0x18500] =	vst v63  }
0x25: {  	s17 =	simm.s32 $0x180  }
0x26: {  	[tilespmem:s18], [sflag:$0x1] =	stream.indirect.gather [hbm4b:s4+s11], $0x20, s17, s11, $0xb8;
	[tilespmem:$0x18500] =	vst v63  }
0x27: {  	s19 =	simm.s32 $0x200  }
0x28: {  	[tilespmem:s20], [sflag:$0x2] =	stream.indirect.gather [hbm4b:s4+s11], $0x20, s19, s11, $0xb8;
	[tilespmem:$0x18500] =	vst v63  }
0x29: {  	s21 =	simm.s32 $0x280  }
0x2a: {  	[tilespmem:s22], [sflag:$0x2] =	stream.indirect.gather [hbm4b:s4+s11], $0x20, s21, s11, $0xb8;
	[tilespmem:$0x18500] =	vst v63  }
0x2b: {  	s23 =	simm.s32 $0x300  }
0x2c: {  	[tilespmem:s24], [sflag:$0x2] =	stream.indirect.gather [hbm4b:s4+s11], $0x20, s23, s11, $0xb8;
	[tilespmem:$0x18500] =	vst v63  }
0x2d: {  	s25 =	simm.s32 $0x380;
	s12 =	simm.s32 $0x0  }
0x2e: {  	[tilespmem:s26], [sflag:$0x2] =	stream.indirect.gather [hbm4b:s4+s11], $0x20, s25, s11, $0xb8;
	[tilespmem:$0x18500] =	vst v63  }
.LBB2_2:
0x2f: {  	_ =	swait.ge [sflag:s28], $0x4000  }
0x30: {  	p0 =	seq.s32 s12, $0x0;
	[sflag:s28] =	ssyncset.done $0x0  }
0x31: {  	s5 =	simm.s32 @!p0 $0x3;
	[sflag:s28] =	ssyncadd.s32 $0xFFFFC000  }
0x32: {  	_ =	swait.ge @!p0 [sflag:s5], $0x4000  }
0x33: {  	s15 =	sshll.u32 s12, $0x8;
	[sflag:s5] =	ssyncset.done @!p0 $0x0  }
0x34: {  	s17 =	sand.u32 $0x3FFFFF00, s15;
	[sflag:s5] =	ssyncadd.s32 @!p0 $0xFFFFC000  }
0x35: {  	v8 =	vld [tilespmem:s17+$0x16C00]  }
0x36: {  	v9 =	vld [tilespmem:s17+$0x16C10]  }
0x37: {  	v10 =	vld [tilespmem:s17+$0x16C20]  }
0x38: {  	v11 =	vld [tilespmem:s17+$0x16C30]  }
0x39: {  	v12 =	vld [tilespmem:s17+$0x16C40]  }
0x3a: {  	v13 =	vld [tilespmem:s17+$0x16C50]  }
0x3b: {  	v14 =	vld [tilespmem:s17+$0x16C60]  }
0x3c: {  	s19 =	simm.s32 $0x0;
	s21 =	simm.s32 $0x8400;
	s15 =	sshll.u32 s12, $0xC;
	v15 =	vld [tilespmem:s17+$0x16C70]  }
.LBB2_3:
0x3d: {  	v16 =	vld [tilespmem:s21+$0xFFFFE000];
	_ =	sdelay $0x1  }
0x3e: {  	v17 =	vmov s19  }
0x3f: {  	v17 =	vand.u32 $0x7C, v17  }
0x40: {  	v18 =	vadd.s32 v0, v17  }
0x41: {  	v16 =	vmul.f32 $5.656854150e+00, v16;
	_ =	sdelay $0x1  }
0x42: {  	v16 =	vadd.f32 v16, v8;
	_ =	sdelay $0x1  }
0x43: {  	[tilespmem:v18+s29+$0x0] =	vst.idx.msk $0xffff, v16  }
0x44: {  	v16 =	vld [tilespmem:s21+$0xFFFFE010];
	_ =	sdelay $0x3  }
0x45: {  	v37 =	vadd.s32 v1, v17  }
0x46: {  	v16 =	vmul.f32 $5.656854150e+00, v16;
	_ =	sdelay $0x1  }
0x47: {  	v16 =	vadd.f32 v16, v9;
	_ =	sdelay $0x1  }
0x48: {  	[tilespmem:v37+s29+$0x0] =	vst.idx.msk $0xffff, v16  }
0x49: {  	v16 =	vld [tilespmem:s21+$0xFFFFF000];
	_ =	sdelay $0x3  }
0x4a: {  	v38 =	vadd.s32 v2, v17  }
0x4b: {  	v16 =	vmul.f32 $5.656854150e+00, v16;
	_ =	sdelay $0x1  }
0x4c: {  	v16 =	vadd.f32 v16, v10;
	_ =	sdelay $0x1  }
0x4d: {  	[tilespmem:v38+s29+$0x0] =	vst.idx.msk $0xffff, v16  }
0x4e: {  	v16 =	vld [tilespmem:s21+$0xFFFFF010];
	_ =	sdelay $0x3  }
0x4f: {  	v39 =	vadd.s32 v3, v17  }
0x50: {  	v16 =	vmul.f32 $5.656854150e+00, v16;
	_ =	sdelay $0x1  }
0x51: {  	v16 =	vadd.f32 v16, v11;
	_ =	sdelay $0x1  }
0x52: {  	[tilespmem:v39+s29+$0x0] =	vst.idx.msk $0xffff, v16  }
0x53: {  	v16 =	vld [tilespmem:s21+$0x0];
	_ =	sdelay $0x3  }
0x54: {  	v40 =	vadd.s32 v4, v17  }
0x55: {  	v16 =	vmul.f32 $5.656854150e+00, v16;
	_ =	sdelay $0x1  }
0x56: {  	v16 =	vadd.f32 v16, v12;
	_ =	sdelay $0x1  }
0x57: {  	[tilespmem:v40+s29+$0x0] =	vst.idx.msk $0xffff, v16  }
0x58: {  	v16 =	vld [tilespmem:s21+$0x10];
	_ =	sdelay $0x3  }
0x59: {  	v41 =	vadd.s32 v5, v17  }
0x5a: {  	v16 =	vmul.f32 $5.656854150e+00, v16;
	_ =	sdelay $0x1  }
0x5b: {  	v16 =	vadd.f32 v16, v13;
	_ =	sdelay $0x1  }
0x5c: {  	[tilespmem:v41+s29+$0x0] =	vst.idx.msk $0xffff, v16  }
0x5d: {  	v16 =	vld [tilespmem:s21+$0x1000];
	_ =	sdelay $0x3  }
0x5e: {  	v42 =	vadd.s32 v6, v17  }
0x5f: {  	v16 =	vmul.f32 $5.656854150e+00, v16;
	_ =	sdelay $0x1  }
0x60: {  	v16 =	vadd.f32 v16, v14;
	_ =	sdelay $0x1  }
0x61: {  	[tilespmem:v42+s29+$0x0] =	vst.idx.msk $0xffff, v16  }
0x62: {  	v16 =	vld [tilespmem:s21+$0x1010];
	_ =	sdelay $0x3  }
0x63: {  	v17 =	vadd.s32 v7, v17  }
0x64: {  	v16 =	vmul.f32 $5.656854150e+00, v16;
	_ =	sdelay $0x1  }
0x65: {  	v16 =	vadd.f32 v16, v15;
	_ =	sdelay $0x1  }
0x66: {  	[tilespmem:v17+s29+$0x0] =	vst.idx.msk $0xffff, v16  }
0x67: {  	v16 =	vld [tilespmem:s21+$0xFFFFE020]  }
0x68: {  	s5 =	sadd.s32 $0x1, s19  }
0x69: {  	v17 =	vmov s5  }
0x6a: {  	v17 =	vand.u32 $0x7D, v17  }
0x6b: {  	v43 =	vadd.s32 v0, v17  }
0x6c: {  	v16 =	vmul.f32 $5.656854150e+00, v16;
	_ =	sdelay $0x1  }
0x6d: {  	v16 =	vadd.f32 v16, v8;
	_ =	sdelay $0x1  }
0x6e: {  	[tilespmem:v43+s29+$0x0] =	vst.idx.msk $0xffff, v16  }
0x6f: {  	v16 =	vld [tilespmem:s21+$0xFFFFE030];
	_ =	sdelay $0x3  }
0x70: {  	v44 =	vadd.s32 v1, v17  }
0x71: {  	v16 =	vmul.f32 $5.656854150e+00, v16;
	_ =	sdelay $0x1  }
0x72: {  	v16 =	vadd.f32 v16, v9;
	_ =	sdelay $0x1  }
0x73: {  	[tilespmem:v44+s29+$0x0] =	vst.idx.msk $0xffff, v16  }
0x74: {  	v16 =	vld [tilespmem:s21+$0xFFFFF020];
	_ =	sdelay $0x3  }
0x75: {  	v45 =	vadd.s32 v2, v17  }
0x76: {  	v16 =	vmul.f32 $5.656854150e+00, v16;
	_ =	sdelay $0x1  }
0x77: {  	v16 =	vadd.f32 v16, v10;
	_ =	sdelay $0x1  }
0x78: {  	[tilespmem:v45+s29+$0x0] =	vst.idx.msk $0xffff, v16  }
0x79: {  	v16 =	vld [tilespmem:s21+$0xFFFFF030];
	_ =	sdelay $0x3  }
0x7a: {  	v46 =	vadd.s32 v3, v17  }
0x7b: {  	v16 =	vmul.f32 $5.656854150e+00, v16;
	_ =	sdelay $0x1  }
0x7c: {  	v16 =	vadd.f32 v16, v11;
	_ =	sdelay $0x1  }
0x7d: {  	[tilespmem:v46+s29+$0x0] =	vst.idx.msk $0xffff, v16  }
0x7e: {  	v16 =	vld [tilespmem:s21+$0x20];
	_ =	sdelay $0x3  }
0x7f: {  	v47 =	vadd.s32 v4, v17  }
0x80: {  	v16 =	vmul.f32 $5.656854150e+00, v16;
	_ =	sdelay $0x1  }
0x81: {  	v16 =	vadd.f32 v16, v12;
	_ =	sdelay $0x1  }
0x82: {  	[tilespmem:v47+s29+$0x0] =	vst.idx.msk $0xffff, v16  }
0x83: {  	v16 =	vld [tilespmem:s21+$0x30];
	_ =	sdelay $0x3  }
0x84: {  	v48 =	vadd.s32 v5, v17  }
0x85: {  	v16 =	vmul.f32 $5.656854150e+00, v16;
	_ =	sdelay $0x1  }
0x86: {  	v16 =	vadd.f32 v16, v13;
	_ =	sdelay $0x1  }
0x87: {  	[tilespmem:v48+s29+$0x0] =	vst.idx.msk $0xffff, v16  }
0x88: {  	v16 =	vld [tilespmem:s21+$0x1020];
	_ =	sdelay $0x3  }
0x89: {  	v49 =	vadd.s32 v6, v17  }
0x8a: {  	v16 =	vmul.f32 $5.656854150e+00, v16;
	_ =	sdelay $0x1  }
0x8b: {  	v16 =	vadd.f32 v16, v14;
	_ =	sdelay $0x1  }
0x8c: {  	[tilespmem:v49+s29+$0x0] =	vst.idx.msk $0xffff, v16  }
0x8d: {  	v16 =	vld [tilespmem:s21+$0x1030];
	_ =	sdelay $0x3  }
0x8e: {  	v17 =	vadd.s32 v7, v17  }
0x8f: {  	v16 =	vmul.f32 $5.656854150e+00, v16;
	_ =	sdelay $0x1  }
0x90: {  	v16 =	vadd.f32 v16, v15;
	_ =	sdelay $0x1  }
0x91: {  	[tilespmem:v17+s29+$0x0] =	vst.idx.msk $0xffff, v16  }
0x92: {  	v16 =	vld [tilespmem:s21+$0xFFFFE040]  }
0x93: {  	s23 =	sadd.s32 $0x2, s19  }
0x94: {  	v17 =	vmov s23  }
0x95: {  	v17 =	vand.u32 $0x7E, v17  }
0x96: {  	v50 =	vadd.s32 v0, v17  }
0x97: {  	v16 =	vmul.f32 $5.656854150e+00, v16;
	_ =	sdelay $0x1  }
0x98: {  	v16 =	vadd.f32 v16, v8;
	_ =	sdelay $0x1  }
0x99: {  	[tilespmem:v50+s29+$0x0] =	vst.idx.msk $0xffff, v16  }
0x9a: {  	v16 =	vld [tilespmem:s21+$0xFFFFE050];
	_ =	sdelay $0x3  }
0x9b: {  	v51 =	vadd.s32 v1, v17  }
0x9c: {  	v16 =	vmul.f32 $5.656854150e+00, v16;
	_ =	sdelay $0x1  }
0x9d: {  	v16 =	vadd.f32 v16, v9;
	_ =	sdelay $0x1  }
0x9e: {  	[tilespmem:v51+s29+$0x0] =	vst.idx.msk $0xffff, v16  }
0x9f: {  	v16 =	vld [tilespmem:s21+$0xFFFFF040];
	_ =	sdelay $0x3  }
0xa0: {  	v52 =	vadd.s32 v2, v17  }
0xa1: {  	v16 =	vmul.f32 $5.656854150e+00, v16;
	_ =	sdelay $0x1  }
0xa2: {  	v16 =	vadd.f32 v16, v10;
	_ =	sdelay $0x1  }
0xa3: {  	[tilespmem:v52+s29+$0x0] =	vst.idx.msk $0xffff, v16  }
0xa4: {  	v16 =	vld [tilespmem:s21+$0xFFFFF050];
	_ =	sdelay $0x3  }
0xa5: {  	v53 =	vadd.s32 v3, v17  }
0xa6: {  	v16 =	vmul.f32 $5.656854150e+00, v16;
	_ =	sdelay $0x1  }
0xa7: {  	v16 =	vadd.f32 v16, v11;
	_ =	sdelay $0x1  }
0xa8: {  	[tilespmem:v53+s29+$0x0] =	vst.idx.msk $0xffff, v16  }
0xa9: {  	v16 =	vld [tilespmem:s21+$0x40];
	_ =	sdelay $0x3  }
0xaa: {  	v54 =	vadd.s32 v4, v17  }
0xab: {  	v16 =	vmul.f32 $5.656854150e+00, v16;
	_ =	sdelay $0x1  }
0xac: {  	v16 =	vadd.f32 v16, v12;
	_ =	sdelay $0x1  }
0xad: {  	[tilespmem:v54+s29+$0x0] =	vst.idx.msk $0xffff, v16  }
0xae: {  	v16 =	vld [tilespmem:s21+$0x50];
	_ =	sdelay $0x3  }
0xaf: {  	v55 =	vadd.s32 v5, v17  }
0xb0: {  	v16 =	vmul.f32 $5.656854150e+00, v16;
	_ =	sdelay $0x1  }
0xb1: {  	v16 =	vadd.f32 v16, v13;
	_ =	sdelay $0x1  }
0xb2: {  	[tilespmem:v55+s29+$0x0] =	vst.idx.msk $0xffff, v16  }
0xb3: {  	v16 =	vld [tilespmem:s21+$0x1040];
	_ =	sdelay $0x3  }
0xb4: {  	v56 =	vadd.s32 v6, v17  }
0xb5: {  	v16 =	vmul.f32 $5.656854150e+00, v16;
	_ =	sdelay $0x1  }
0xb6: {  	v16 =	vadd.f32 v16, v14;
	_ =	sdelay $0x1  }
0xb7: {  	[tilespmem:v56+s29+$0x0] =	vst.idx.msk $0xffff, v16  }
0xb8: {  	v16 =	vld [tilespmem:s21+$0x1050];
	_ =	sdelay $0x3  }
0xb9: {  	v17 =	vadd.s32 v7, v17  }
0xba: {  	v16 =	vmul.f32 $5.656854150e+00, v16;
	_ =	sdelay $0x1  }
0xbb: {  	v16 =	vadd.f32 v16, v15;
	_ =	sdelay $0x1  }
0xbc: {  	[tilespmem:v17+s29+$0x0] =	vst.idx.msk $0xffff, v16  }
0xbd: {  	v16 =	vld [tilespmem:s21+$0xFFFFE060]  }
0xbe: {  	s25 =	sadd.s32 $0x3, s19  }
0xbf: {  	v17 =	vmov s25  }
0xc0: {  	v17 =	vand.u32 $0x7F, v17  }
0xc1: {  	v57 =	vadd.s32 v0, v17  }
0xc2: {  	v16 =	vmul.f32 $5.656854150e+00, v16;
	_ =	sdelay $0x1  }
0xc3: {  	v16 =	vadd.f32 v16, v8;
	_ =	sdelay $0x1  }
0xc4: {  	[tilespmem:v57+s29+$0x0] =	vst.idx.msk $0xffff, v16  }
0xc5: {  	v16 =	vld [tilespmem:s21+$0xFFFFE070];
	_ =	sdelay $0x3  }
0xc6: {  	v58 =	vadd.s32 v1, v17  }
0xc7: {  	v16 =	vmul.f32 $5.656854150e+00, v16;
	_ =	sdelay $0x1  }
0xc8: {  	v16 =	vadd.f32 v16, v9;
	_ =	sdelay $0x1  }
0xc9: {  	[tilespmem:v58+s29+$0x0] =	vst.idx.msk $0xffff, v16  }
0xca: {  	v16 =	vld [tilespmem:s21+$0xFFFFF060];
	_ =	sdelay $0x3  }
0xcb: {  	v59 =	vadd.s32 v2, v17  }
0xcc: {  	v16 =	vmul.f32 $5.656854150e+00, v16;
	_ =	sdelay $0x1  }
0xcd: {  	v16 =	vadd.f32 v16, v10;
	_ =	sdelay $0x1  }
0xce: {  	[tilespmem:v59+s29+$0x0] =	vst.idx.msk $0xffff, v16  }
0xcf: {  	v16 =	vld [tilespmem:s21+$0xFFFFF070];
	_ =	sdelay $0x3  }
0xd0: {  	v60 =	vadd.s32 v3, v17  }
0xd1: {  	v16 =	vmul.f32 $5.656854150e+00, v16;
	_ =	sdelay $0x1  }
0xd2: {  	v16 =	vadd.f32 v16, v11;
	_ =	sdelay $0x1  }
0xd3: {  	[tilespmem:v60+s29+$0x0] =	vst.idx.msk $0xffff, v16  }
0xd4: {  	v16 =	vld [tilespmem:s21+$0x60];
	_ =	sdelay $0x3  }
0xd5: {  	v61 =	vadd.s32 v4, v17  }
0xd6: {  	v16 =	vmul.f32 $5.656854150e+00, v16;
	_ =	sdelay $0x1  }
0xd7: {  	v16 =	vadd.f32 v16, v12;
	_ =	sdelay $0x1  }
0xd8: {  	[tilespmem:v61+s29+$0x0] =	vst.idx.msk $0xffff, v16  }
0xd9: {  	v16 =	vld [tilespmem:s21+$0x70];
	_ =	sdelay $0x3  }
0xda: {  	v62 =	vadd.s32 v5, v17  }
0xdb: {  	v16 =	vmul.f32 $5.656854150e+00, v16;
	_ =	sdelay $0x1  }
0xdc: {  	v16 =	vadd.f32 v16, v13;
	_ =	sdelay $0x1  }
0xdd: {  	[tilespmem:v62+s29+$0x0] =	vst.idx.msk $0xffff, v16  }
0xde: {  	v16 =	vld [tilespmem:s21+$0x1060];
	_ =	sdelay $0x3  }
0xdf: {  	v63 =	vadd.s32 v6, v17  }
0xe0: {  	v16 =	vmul.f32 $5.656854150e+00, v16;
	_ =	sdelay $0x1  }
0xe1: {  	v16 =	vadd.f32 v16, v14;
	_ =	sdelay $0x1  }
0xe2: {  	[tilespmem:v63+s29+$0x0] =	vst.idx.msk $0xffff, v16  }
0xe3: {  	v16 =	vld [tilespmem:s21+$0x1070];
	_ =	sdelay $0x3  }
0xe4: {  	p1 =	sne.s32 s19, $0x7C;
	v17 =	vadd.s32 v7, v17  }
.Ltmp2:
0xe5: {  	v16 =	vmul.f32 $5.656854150e+00, v16;
	(pc) =	sbr.rel @p1 .LBB2_3-.Ltmp2, $3  }
0xe6: {  	_ = 	snop  }
0xe7: {  	v16 =	vadd.f32 v16, v15;
	_ =	sdelay $0x1  }
0xe8: {  	s19 =	sadd.s32 $0x4, s19;
	s21 =	sadd.s32 $0x80, s21;
	[tilespmem:v17+s29+$0x0] =	vst.idx.msk $0xffff, v16  }
0xe9: {  	s5 =	sshll.u32 s12, $0x14  }
0xea: {  	s5 =	sor.u32 s7, s5  }
0xeb: {  	s5 =	sshrl.u32 s5, $0x3  }
0xec: {  	s25 =	simm.s32 $0xE400;
	s21 =	sadd.s32 s2, s5  }
0xed: {  	[hbm4b:s21+s3] =	stream.linear.scatter [tilespmem:s25], [sflag:$0x3], $0x80, $0x38;
	[tilespmem:$0x18500] =	vst v63  }
0xee: {  	s6 =	simm.s32 $0xE488;
	s19 =	sadd.s32 $0x10, s21  }
0xef: {  	[hbm4b:s19+s3] =	stream.linear.scatter [tilespmem:s6], [sflag:$0x3], $0x80, $0x38;
	[tilespmem:$0x18500] =	vst v63  }
0xf0: {  	s23 =	sadd.s32 $0x20, s21;
	s19 =	simm.s32 $0xE510  }
0xf1: {  	[hbm4b:s23+s3] =	stream.linear.scatter [tilespmem:s19], [sflag:$0x3], $0x80, $0x38;
	[tilespmem:$0x18500] =	vst v63  }
0xf2: {  	s25 =	simm.s32 $0xE598;
	s6 =	sadd.s32 $0x30, s21  }
0xf3: {  	[hbm4b:s6+s3] =	stream.linear.scatter [tilespmem:s25], [sflag:$0x3], $0x80, $0x38;
	[tilespmem:$0x18500] =	vst v63  }
0xf4: {  	s19 =	simm.s32 $0xE620;
	s23 =	sadd.s32 $0x40, s21  }
0xf5: {  	[hbm4b:s23+s3] =	stream.linear.scatter [tilespmem:s19], [sflag:$0x3], $0x80, $0x38;
	[tilespmem:$0x18500] =	vst v63  }
0xf6: {  	s5 =	sadd.s32 $0x70, s21;
	s25 =	simm.s32 $0xE6A8;
	s6 =	sadd.s32 $0x50, s21  }
0xf7: {  	[hbm4b:s6+s3] =	stream.linear.scatter [tilespmem:s25], [sflag:$0x3], $0x80, $0x38;
	[tilespmem:$0x18500] =	vst v63  }
0xf8: {  	s23 =	simm.s32 $0xE730;
	s19 =	simm.s32 $0x440;
	s25 =	sadd.s32 $0x60, s21  }
0xf9: {  	[hbm4b:s25+s3] =	stream.linear.scatter [tilespmem:s23], [sflag:$0x3], $0x80, $0x38;
	[tilespmem:$0x18500] =	vst v63  }
0xfa: {  	s21 =	sadd.s32 $0x1000, s21;
	s23 =	simm.s32 $0x2200;
	s25 =	simm.s32 $0xE7B8  }
.LBB2_5:
0xfb: {  	[hbm4b:s5+s3] =	stream.linear.scatter [tilespmem:s25], [sflag:$0x3], $0x80, $0x38;
	[tilespmem:$0x18500] =	vst v63  }
0xfc: {  	s5 =	smov.u32 s19;
	s19 =	smov.u32 s23  }
0xfd: {  	s6 =	sadd.s32 $0x1100, s23;
	s19 =	sshra.s32 s19, $0x2;
	s25 =	sadd.s32 $0xE400, s5  }
0xfe: {  	[hbm4b:s21+s3] =	stream.linear.scatter [tilespmem:s25], [sflag:$0x3], $0x80, $0x38;
	[tilespmem:$0x18500] =	vst v63  }
0xff: {  	p1 =	sne.s32 s23, $0xFF00;
	s23 =	sadd.s32 $0xE488, s5;
	s25 =	sadd.s32 $0x10, s21  }
0x100: {  	[hbm4b:s25+s3] =	stream.linear.scatter [tilespmem:s23], [sflag:$0x3], $0x80, $0x38;
	[tilespmem:$0x18500] =	vst v63  }
0x101: {  	s23 =	sadd.s32 $0xE510, s5;
	s25 =	sadd.s32 $0x20, s21  }
0x102: {  	[hbm4b:s25+s3] =	stream.linear.scatter [tilespmem:s23], [sflag:$0x3], $0x80, $0x38;
	[tilespmem:$0x18500] =	vst v63  }
0x103: {  	s23 =	sadd.s32 $0xE598, s5;
	s25 =	sadd.s32 $0x30, s21  }
0x104: {  	[hbm4b:s25+s3] =	stream.linear.scatter [tilespmem:s23], [sflag:$0x3], $0x80, $0x38;
	[tilespmem:$0x18500] =	vst v63  }
0x105: {  	s23 =	sadd.s32 $0xE620, s5;
	s25 =	sadd.s32 $0x40, s21  }
0x106: {  	[hbm4b:s25+s3] =	stream.linear.scatter [tilespmem:s23], [sflag:$0x3], $0x80, $0x38;
	[tilespmem:$0x18500] =	vst v63  }
0x107: {  	s23 =	sadd.s32 $0xE6A8, s5;
	s25 =	sadd.s32 $0x50, s21  }
0x108: {  	[hbm4b:s25+s3] =	stream.linear.scatter [tilespmem:s23], [sflag:$0x3], $0x80, $0x38;
	[tilespmem:$0x18500] =	vst v63  }
.Ltmp3:
0x109: {  	_ = 	snop;
	(pc) =	sbr.rel @p1 .LBB2_5-.Ltmp3, $4  }
0x10a: {  	s23 =	sadd.s32 $0xE730, s5;
	s25 =	sadd.s32 $0x60, s21  }
0x10b: {  	[hbm4b:s25+s3] =	stream.linear.scatter [tilespmem:s23], [sflag:$0x3], $0x80, $0x38;
	[tilespmem:$0x18500] =	vst v63  }
0x10c: {  	s25 =	sadd.s32 $0xE7B8, s5  }
0x10d: {  	s5 =	sadd.s32 $0x70, s21;
	s21 =	sadd.s32 $0x1000, s21;
	s23 =	smov.u32 s6  }
0x10e: {  	[hbm4b:s5+s3] =	stream.linear.scatter [tilespmem:s25], [sflag:$0x3], $0x80, $0x38;
	[tilespmem:$0x18500] =	vst v63  }
0x10f: {  	s23 =	sadd.s32 $0xE400, s19  }
0x110: {  	[hbm4b:s21+s3] =	stream.linear.scatter [tilespmem:s23], [sflag:$0x3], $0x80, $0x38;
	[tilespmem:$0x18500] =	vst v63  }
0x111: {  	s25 =	sadd.s32 $0xE488, s19;
	s6 =	sadd.s32 $0x10, s21  }
0x112: {  	[hbm4b:s6+s3] =	stream.linear.scatter [tilespmem:s25], [sflag:$0x3], $0x80, $0x38;
	[tilespmem:$0x18500] =	vst v63  }
0x113: {  	s23 =	sadd.s32 $0xE510, s19;
	s25 =	sadd.s32 $0x20, s21  }
0x114: {  	[hbm4b:s25+s3] =	stream.linear.scatter [tilespmem:s23], [sflag:$0x3], $0x80, $0x38;
	[tilespmem:$0x18500] =	vst v63  }
0x115: {  	s23 =	sadd.s32 $0xE598, s19;
	s25 =	sadd.s32 $0x30, s21  }
0x116: {  	[hbm4b:s25+s3] =	stream.linear.scatter [tilespmem:s23], [sflag:$0x3], $0x80, $0x38;
	[tilespmem:$0x18500] =	vst v63  }
0x117: {  	s23 =	sadd.s32 $0xE620, s19;
	s25 =	sadd.s32 $0x40, s21  }
0x118: {  	[hbm4b:s25+s3] =	stream.linear.scatter [tilespmem:s23], [sflag:$0x3], $0x80, $0x38;
	[tilespmem:$0x18500] =	vst v63  }
0x119: {  	p1 =	sne.s32 s12, $0x18;
	s23 =	sadd.s32 $0xE6A8, s19;
	s25 =	sadd.s32 $0x50, s21  }
0x11a: {  	[hbm4b:s25+s3] =	stream.linear.scatter [tilespmem:s23], [sflag:$0x3], $0x80, $0x38;
	[tilespmem:$0x18500] =	vst v63  }
.Ltmp4:
0x11b: {  	_ = 	snop;
	(pc) =	sbr.rel @p1 .LBB2_8-.Ltmp4, $4  }
0x11c: {  	s23 =	sadd.s32 $0xE730, s19;
	s25 =	sadd.s32 $0x60, s21  }
0x11d: {  	[hbm4b:s25+s3] =	stream.linear.scatter [tilespmem:s23], [sflag:$0x3], $0x80, $0x38;
	[tilespmem:$0x18500] =	vst v63  }
0x11e: {  	s23 =	sadd.s32 $0xE7B8, s19;
	s25 =	sadd.s32 $0x70, s21  }
0x11f: {  	[hbm4b:s25+s3] =	stream.linear.scatter [tilespmem:s23], [sflag:$0x3], $0x80, $0x38;
	[tilespmem:$0x18500] =	vst v63  }
.Ltmp5:
0x120: {  	(pc) =	sbr.rel .LBB2_9-.Ltmp5, $4  }
0x121: {  	_ = 	snop  }
0x122: {  	_ =	swait.ge [sflag:s30], $0x4000  }
0x123: {  	[sflag:s30] =	ssyncset.done $0x0  }
0x124: {  	[sflag:s30] =	ssyncadd.s32 $0xFFFFC000  }
.LBB2_8:
0x125: {  	s5 =	sshrl.u32 s15, $0x2  }
0x126: {  	s6 =	sadd.s32 $0x400, s5  }
0x127: {  	[tilespmem:s13], [sflag:$0x1] =	stream.indirect.gather [hbm4b:s4+s11], $0x20, s6, s11, $0xb8;
	[tilespmem:$0x18500] =	vst v63  }
0x128: {  	s23 =	sadd.s32 $0x480, s5  }
0x129: {  	[tilespmem:s14], [sflag:$0x1] =	stream.indirect.gather [hbm4b:s4+s11], $0x20, s23, s11, $0xb8;
	[tilespmem:$0x18500] =	vst v63  }
0x12a: {  	s25 =	sadd.s32 $0x500, s5  }
0x12b: {  	[tilespmem:s16], [sflag:$0x1] =	stream.indirect.gather [hbm4b:s4+s11], $0x20, s25, s11, $0xb8;
	[tilespmem:$0x18500] =	vst v63  }
.Ltmp6:
0x12c: {  	s5 =	sadd.s32 $0x580, s5;
	(pc) =	sbr.rel @p0 .LBB2_10-.Ltmp6, $4  }
0x12d: {  	[tilespmem:s18], [sflag:$0x1] =	stream.indirect.gather [hbm4b:s4+s11], $0x20, s5, s11, $0xb8;
	[tilespmem:$0x18500] =	vst v63  }
0x12e: {  	_ =	swait.ge [sflag:s30], $0x4000  }
0x12f: {  	[sflag:s30] =	ssyncset.done $0x0  }
0x130: {  	[sflag:s30] =	ssyncadd.s32 $0xFFFFC000  }
.LBB2_9:
0x131: {  	_ =	swait.ge [sflag:s31], $0x4000  }
0x132: {  	[sflag:s31] =	ssyncset.done $0x0  }
0x133: {  	[sflag:s31] =	ssyncadd.s32 $0xFFFFC000  }
.LBB2_10:
0x134: {  	v10 =	vld [tilespmem:s17+$0x16CA0]  }
0x135: {  	v11 =	vld [tilespmem:s17+$0x16CB0]  }
0x136: {  	s5 =	sshll.u32 s12, $0x3;
	v12 =	vld [tilespmem:s17+$0x16CC0]  }
0x137: {  	v13 =	vld [tilespmem:s17+$0x16CD0];
	s19 =	sor.u32 $0x4, s5  }
0x138: {  	v14 =	vld [tilespmem:s17+$0x16CE0];
	s5 =	sshll.u32 s19, $0x5  }
0x139: {  	v15 =	vld [tilespmem:s17+$0x16CF0];
	s5 =	sand.u32 $0x3FFFFF80, s5  }
0x13a: {  	v8 =	vld [tilespmem:s5+$0x16C00]  }
0x13b: {  	s17 =	simm.s32 $0x0;
	s21 =	simm.s32 $0xC400;
	v9 =	vld [tilespmem:s5+$0x16C10]  }
.LBB2_11:
0x13c: {  	v16 =	vld [tilespmem:s21+$0xFFFFE000];
	_ =	sdelay $0x1  }
0x13d: {  	v17 =	vmov s17  }
0x13e: {  	v17 =	vand.u32 $0x7C, v17  }
0x13f: {  	v18 =	vadd.s32 v0, v17  }
0x140: {  	v16 =	vmul.f32 $5.656854150e+00, v16;
	_ =	sdelay $0x1  }
0x141: {  	v16 =	vadd.f32 v16, v8;
	_ =	sdelay $0x1  }
0x142: {  	[tilespmem:v18+s0+$0x0] =	vst.idx.msk $0xffff, v16  }
0x143: {  	v16 =	vld [tilespmem:s21+$0xFFFFE010];
	_ =	sdelay $0x3  }
0x144: {  	v37 =	vadd.s32 v1, v17  }
0x145: {  	v16 =	vmul.f32 $5.656854150e+00, v16;
	_ =	sdelay $0x1  }
0x146: {  	v16 =	vadd.f32 v16, v9;
	_ =	sdelay $0x1  }
0x147: {  	[tilespmem:v37+s0+$0x0] =	vst.idx.msk $0xffff, v16  }
0x148: {  	v16 =	vld [tilespmem:s21+$0xFFFFF000];
	_ =	sdelay $0x3  }
0x149: {  	v38 =	vadd.s32 v2, v17  }
0x14a: {  	v16 =	vmul.f32 $5.656854150e+00, v16;
	_ =	sdelay $0x1  }
0x14b: {  	v16 =	vadd.f32 v16, v10;
	_ =	sdelay $0x1  }
0x14c: {  	[tilespmem:v38+s0+$0x0] =	vst.idx.msk $0xffff, v16  }
0x14d: {  	v16 =	vld [tilespmem:s21+$0xFFFFF010];
	_ =	sdelay $0x3  }
0x14e: {  	v39 =	vadd.s32 v3, v17  }
0x14f: {  	v16 =	vmul.f32 $5.656854150e+00, v16;
	_ =	sdelay $0x1  }
0x150: {  	v16 =	vadd.f32 v16, v11;
	_ =	sdelay $0x1  }
0x151: {  	[tilespmem:v39+s0+$0x0] =	vst.idx.msk $0xffff, v16  }
0x152: {  	v16 =	vld [tilespmem:s21+$0x0];
	_ =	sdelay $0x3  }
0x153: {  	v40 =	vadd.s32 v4, v17  }
0x154: {  	v16 =	vmul.f32 $5.656854150e+00, v16;
	_ =	sdelay $0x1  }
0x155: {  	v16 =	vadd.f32 v16, v12;
	_ =	sdelay $0x1  }
0x156: {  	[tilespmem:v40+s0+$0x0] =	vst.idx.msk $0xffff, v16  }
0x157: {  	v16 =	vld [tilespmem:s21+$0x10];
	_ =	sdelay $0x3  }
0x158: {  	v41 =	vadd.s32 v5, v17  }
0x159: {  	v16 =	vmul.f32 $5.656854150e+00, v16;
	_ =	sdelay $0x1  }
0x15a: {  	v16 =	vadd.f32 v16, v13;
	_ =	sdelay $0x1  }
0x15b: {  	[tilespmem:v41+s0+$0x0] =	vst.idx.msk $0xffff, v16  }
0x15c: {  	v16 =	vld [tilespmem:s21+$0x1000];
	_ =	sdelay $0x3  }
0x15d: {  	v42 =	vadd.s32 v6, v17  }
0x15e: {  	v16 =	vmul.f32 $5.656854150e+00, v16;
	_ =	sdelay $0x1  }
0x15f: {  	v16 =	vadd.f32 v16, v14;
	_ =	sdelay $0x1  }
0x160: {  	[tilespmem:v42+s0+$0x0] =	vst.idx.msk $0xffff, v16  }
0x161: {  	v16 =	vld [tilespmem:s21+$0x1010];
	_ =	sdelay $0x3  }
0x162: {  	v17 =	vadd.s32 v7, v17  }
0x163: {  	v16 =	vmul.f32 $5.656854150e+00, v16;
	_ =	sdelay $0x1  }
0x164: {  	v16 =	vadd.f32 v16, v15;
	_ =	sdelay $0x1  }
0x165: {  	[tilespmem:v17+s0+$0x0] =	vst.idx.msk $0xffff, v16  }
0x166: {  	v16 =	vld [tilespmem:s21+$0xFFFFE020]  }
0x167: {  	s5 =	sadd.s32 $0x1, s17  }
0x168: {  	v17 =	vmov s5  }
0x169: {  	v17 =	vand.u32 $0x7D, v17  }
0x16a: {  	v43 =	vadd.s32 v0, v17  }
0x16b: {  	v16 =	vmul.f32 $5.656854150e+00, v16;
	_ =	sdelay $0x1  }
0x16c: {  	v16 =	vadd.f32 v16, v8;
	_ =	sdelay $0x1  }
0x16d: {  	[tilespmem:v43+s0+$0x0] =	vst.idx.msk $0xffff, v16  }
0x16e: {  	v16 =	vld [tilespmem:s21+$0xFFFFE030];
	_ =	sdelay $0x3  }
0x16f: {  	v44 =	vadd.s32 v1, v17  }
0x170: {  	v16 =	vmul.f32 $5.656854150e+00, v16;
	_ =	sdelay $0x1  }
0x171: {  	v16 =	vadd.f32 v16, v9;
	_ =	sdelay $0x1  }
0x172: {  	[tilespmem:v44+s0+$0x0] =	vst.idx.msk $0xffff, v16  }
0x173: {  	v16 =	vld [tilespmem:s21+$0xFFFFF020];
	_ =	sdelay $0x3  }
0x174: {  	v45 =	vadd.s32 v2, v17  }
0x175: {  	v16 =	vmul.f32 $5.656854150e+00, v16;
	_ =	sdelay $0x1  }
0x176: {  	v16 =	vadd.f32 v16, v10;
	_ =	sdelay $0x1  }
0x177: {  	[tilespmem:v45+s0+$0x0] =	vst.idx.msk $0xffff, v16  }
0x178: {  	v16 =	vld [tilespmem:s21+$0xFFFFF030];
	_ =	sdelay $0x3  }
0x179: {  	v46 =	vadd.s32 v3, v17  }
0x17a: {  	v16 =	vmul.f32 $5.656854150e+00, v16;
	_ =	sdelay $0x1  }
0x17b: {  	v16 =	vadd.f32 v16, v11;
	_ =	sdelay $0x1  }
0x17c: {  	[tilespmem:v46+s0+$0x0] =	vst.idx.msk $0xffff, v16  }
0x17d: {  	v16 =	vld [tilespmem:s21+$0x20];
	_ =	sdelay $0x3  }
0x17e: {  	v47 =	vadd.s32 v4, v17  }
0x17f: {  	v16 =	vmul.f32 $5.656854150e+00, v16;
	_ =	sdelay $0x1  }
0x180: {  	v16 =	vadd.f32 v16, v12;
	_ =	sdelay $0x1  }
0x181: {  	[tilespmem:v47+s0+$0x0] =	vst.idx.msk $0xffff, v16  }
0x182: {  	v16 =	vld [tilespmem:s21+$0x30];
	_ =	sdelay $0x3  }
0x183: {  	v48 =	vadd.s32 v5, v17  }
0x184: {  	v16 =	vmul.f32 $5.656854150e+00, v16;
	_ =	sdelay $0x1  }
0x185: {  	v16 =	vadd.f32 v16, v13;
	_ =	sdelay $0x1  }
0x186: {  	[tilespmem:v48+s0+$0x0] =	vst.idx.msk $0xffff, v16  }
0x187: {  	v16 =	vld [tilespmem:s21+$0x1020];
	_ =	sdelay $0x3  }
0x188: {  	v49 =	vadd.s32 v6, v17  }
0x189: {  	v16 =	vmul.f32 $5.656854150e+00, v16;
	_ =	sdelay $0x1  }
0x18a: {  	v16 =	vadd.f32 v16, v14;
	_ =	sdelay $0x1  }
0x18b: {  	[tilespmem:v49+s0+$0x0] =	vst.idx.msk $0xffff, v16  }
0x18c: {  	v16 =	vld [tilespmem:s21+$0x1030];
	_ =	sdelay $0x3  }
0x18d: {  	v17 =	vadd.s32 v7, v17  }
0x18e: {  	v16 =	vmul.f32 $5.656854150e+00, v16;
	_ =	sdelay $0x1  }
0x18f: {  	v16 =	vadd.f32 v16, v15;
	_ =	sdelay $0x1  }
0x190: {  	[tilespmem:v17+s0+$0x0] =	vst.idx.msk $0xffff, v16  }
0x191: {  	v16 =	vld [tilespmem:s21+$0xFFFFE040]  }
0x192: {  	s23 =	sadd.s32 $0x2, s17  }
0x193: {  	v17 =	vmov s23  }
0x194: {  	v17 =	vand.u32 $0x7E, v17  }
0x195: {  	v50 =	vadd.s32 v0, v17  }
0x196: {  	v16 =	vmul.f32 $5.656854150e+00, v16;
	_ =	sdelay $0x1  }
0x197: {  	v16 =	vadd.f32 v16, v8;
	_ =	sdelay $0x1  }
0x198: {  	[tilespmem:v50+s0+$0x0] =	vst.idx.msk $0xffff, v16  }
0x199: {  	v16 =	vld [tilespmem:s21+$0xFFFFE050];
	_ =	sdelay $0x3  }
0x19a: {  	v51 =	vadd.s32 v1, v17  }
0x19b: {  	v16 =	vmul.f32 $5.656854150e+00, v16;
	_ =	sdelay $0x1  }
0x19c: {  	v16 =	vadd.f32 v16, v9;
	_ =	sdelay $0x1  }
0x19d: {  	[tilespmem:v51+s0+$0x0] =	vst.idx.msk $0xffff, v16  }
0x19e: {  	v16 =	vld [tilespmem:s21+$0xFFFFF040];
	_ =	sdelay $0x3  }
0x19f: {  	v52 =	vadd.s32 v2, v17  }
0x1a0: {  	v16 =	vmul.f32 $5.656854150e+00, v16;
	_ =	sdelay $0x1  }
0x1a1: {  	v16 =	vadd.f32 v16, v10;
	_ =	sdelay $0x1  }
0x1a2: {  	[tilespmem:v52+s0+$0x0] =	vst.idx.msk $0xffff, v16  }
0x1a3: {  	v16 =	vld [tilespmem:s21+$0xFFFFF050];
	_ =	sdelay $0x3  }
0x1a4: {  	v53 =	vadd.s32 v3, v17  }
0x1a5: {  	v16 =	vmul.f32 $5.656854150e+00, v16;
	_ =	sdelay $0x1  }
0x1a6: {  	v16 =	vadd.f32 v16, v11;
	_ =	sdelay $0x1  }
0x1a7: {  	[tilespmem:v53+s0+$0x0] =	vst.idx.msk $0xffff, v16  }
0x1a8: {  	v16 =	vld [tilespmem:s21+$0x40];
	_ =	sdelay $0x3  }
0x1a9: {  	v54 =	vadd.s32 v4, v17  }
0x1aa: {  	v16 =	vmul.f32 $5.656854150e+00, v16;
	_ =	sdelay $0x1  }
0x1ab: {  	v16 =	vadd.f32 v16, v12;
	_ =	sdelay $0x1  }
0x1ac: {  	[tilespmem:v54+s0+$0x0] =	vst.idx.msk $0xffff, v16  }
0x1ad: {  	v16 =	vld [tilespmem:s21+$0x50];
	_ =	sdelay $0x3  }
0x1ae: {  	v55 =	vadd.s32 v5, v17  }
0x1af: {  	v16 =	vmul.f32 $5.656854150e+00, v16;
	_ =	sdelay $0x1  }
0x1b0: {  	v16 =	vadd.f32 v16, v13;
	_ =	sdelay $0x1  }
0x1b1: {  	[tilespmem:v55+s0+$0x0] =	vst.idx.msk $0xffff, v16  }
0x1b2: {  	v16 =	vld [tilespmem:s21+$0x1040];
	_ =	sdelay $0x3  }
0x1b3: {  	v56 =	vadd.s32 v6, v17  }
0x1b4: {  	v16 =	vmul.f32 $5.656854150e+00, v16;
	_ =	sdelay $0x1  }
0x1b5: {  	v16 =	vadd.f32 v16, v14;
	_ =	sdelay $0x1  }
0x1b6: {  	[tilespmem:v56+s0+$0x0] =	vst.idx.msk $0xffff, v16  }
0x1b7: {  	v16 =	vld [tilespmem:s21+$0x1050];
	_ =	sdelay $0x3  }
0x1b8: {  	v17 =	vadd.s32 v7, v17  }
0x1b9: {  	v16 =	vmul.f32 $5.656854150e+00, v16;
	_ =	sdelay $0x1  }
0x1ba: {  	v16 =	vadd.f32 v16, v15;
	_ =	sdelay $0x1  }
0x1bb: {  	[tilespmem:v17+s0+$0x0] =	vst.idx.msk $0xffff, v16  }
0x1bc: {  	v16 =	vld [tilespmem:s21+$0xFFFFE060]  }
0x1bd: {  	s25 =	sadd.s32 $0x3, s17  }
0x1be: {  	v17 =	vmov s25  }
0x1bf: {  	v17 =	vand.u32 $0x7F, v17  }
0x1c0: {  	v57 =	vadd.s32 v0, v17  }
0x1c1: {  	v16 =	vmul.f32 $5.656854150e+00, v16;
	_ =	sdelay $0x1  }
0x1c2: {  	v16 =	vadd.f32 v16, v8;
	_ =	sdelay $0x1  }
0x1c3: {  	[tilespmem:v57+s0+$0x0] =	vst.idx.msk $0xffff, v16  }
0x1c4: {  	v16 =	vld [tilespmem:s21+$0xFFFFE070];
	_ =	sdelay $0x3  }
0x1c5: {  	v58 =	vadd.s32 v1, v17  }
0x1c6: {  	v16 =	vmul.f32 $5.656854150e+00, v16;
	_ =	sdelay $0x1  }
0x1c7: {  	v16 =	vadd.f32 v16, v9;
	_ =	sdelay $0x1  }
0x1c8: {  	[tilespmem:v58+s0+$0x0] =	vst.idx.msk $0xffff, v16  }
0x1c9: {  	v16 =	vld [tilespmem:s21+$0xFFFFF060];
	_ =	sdelay $0x3  }
0x1ca: {  	v59 =	vadd.s32 v2, v17  }
0x1cb: {  	v16 =	vmul.f32 $5.656854150e+00, v16;
	_ =	sdelay $0x1  }
0x1cc: {  	v16 =	vadd.f32 v16, v10;
	_ =	sdelay $0x1  }
0x1cd: {  	[tilespmem:v59+s0+$0x0] =	vst.idx.msk $0xffff, v16  }
0x1ce: {  	v16 =	vld [tilespmem:s21+$0xFFFFF070];
	_ =	sdelay $0x3  }
0x1cf: {  	v60 =	vadd.s32 v3, v17  }
0x1d0: {  	v16 =	vmul.f32 $5.656854150e+00, v16;
	_ =	sdelay $0x1  }
0x1d1: {  	v16 =	vadd.f32 v16, v11;
	_ =	sdelay $0x1  }
0x1d2: {  	[tilespmem:v60+s0+$0x0] =	vst.idx.msk $0xffff, v16  }
0x1d3: {  	v16 =	vld [tilespmem:s21+$0x60];
	_ =	sdelay $0x3  }
0x1d4: {  	v61 =	vadd.s32 v4, v17  }
0x1d5: {  	v16 =	vmul.f32 $5.656854150e+00, v16;
	_ =	sdelay $0x1  }
0x1d6: {  	v16 =	vadd.f32 v16, v12;
	_ =	sdelay $0x1  }
0x1d7: {  	[tilespmem:v61+s0+$0x0] =	vst.idx.msk $0xffff, v16  }
0x1d8: {  	v16 =	vld [tilespmem:s21+$0x70];
	_ =	sdelay $0x3  }
0x1d9: {  	v62 =	vadd.s32 v5, v17  }
0x1da: {  	v16 =	vmul.f32 $5.656854150e+00, v16;
	_ =	sdelay $0x1  }
0x1db: {  	v16 =	vadd.f32 v16, v13;
	_ =	sdelay $0x1  }
0x1dc: {  	[tilespmem:v62+s0+$0x0] =	vst.idx.msk $0xffff, v16  }
0x1dd: {  	v16 =	vld [tilespmem:s21+$0x1060];
	_ =	sdelay $0x3  }
0x1de: {  	v63 =	vadd.s32 v6, v17  }
0x1df: {  	v16 =	vmul.f32 $5.656854150e+00, v16;
	_ =	sdelay $0x1  }
0x1e0: {  	v16 =	vadd.f32 v16, v14;
	_ =	sdelay $0x1  }
0x1e1: {  	[tilespmem:v63+s0+$0x0] =	vst.idx.msk $0xffff, v16  }
0x1e2: {  	v16 =	vld [tilespmem:s21+$0x1070];
	_ =	sdelay $0x3  }
0x1e3: {  	p0 =	sne.s32 s17, $0x7C;
	v17 =	vadd.s32 v7, v17  }
.Ltmp7:
0x1e4: {  	v16 =	vmul.f32 $5.656854150e+00, v16;
	(pc) =	sbr.rel @p0 .LBB2_11-.Ltmp7, $3  }
0x1e5: {  	_ = 	snop  }
0x1e6: {  	v16 =	vadd.f32 v16, v15;
	_ =	sdelay $0x1  }
0x1e7: {  	s17 =	sadd.s32 $0x4, s17;
	s21 =	sadd.s32 $0x80, s21;
	[tilespmem:v17+s0+$0x0] =	vst.idx.msk $0xffff, v16  }
0x1e8: {  	s5 =	sshll.u32 s19, $0x11  }
0x1e9: {  	s5 =	sor.u32 s7, s5  }
0x1ea: {  	s5 =	sshrl.u32 s5, $0x3  }
0x1eb: {  	s19 =	simm.s32 $0x12800;
	s6 =	sadd.s32 s2, s5  }
0x1ec: {  	[hbm4b:s6+s3] =	stream.linear.scatter [tilespmem:s19], [sflag:$0x4], $0x80, $0x38;
	[tilespmem:$0x18500] =	vst v63  }
0x1ed: {  	s21 =	simm.s32 $0x12888;
	s17 =	sadd.s32 $0x10, s6  }
0x1ee: {  	[hbm4b:s17+s3] =	stream.linear.scatter [tilespmem:s21], [sflag:$0x4], $0x80, $0x38;
	[tilespmem:$0x18500] =	vst v63  }
0x1ef: {  	s23 =	simm.s32 $0x12910;
	s25 =	sadd.s32 $0x20, s6  }
0x1f0: {  	[hbm4b:s25+s3] =	stream.linear.scatter [tilespmem:s23], [sflag:$0x4], $0x80, $0x38;
	[tilespmem:$0x18500] =	vst v63  }
0x1f1: {  	s19 =	simm.s32 $0x12998;
	s21 =	sadd.s32 $0x30, s6  }
0x1f2: {  	[hbm4b:s21+s3] =	stream.linear.scatter [tilespmem:s19], [sflag:$0x4], $0x80, $0x38;
	[tilespmem:$0x18500] =	vst v63  }
0x1f3: {  	s23 =	simm.s32 $0x12A20;
	s25 =	sadd.s32 $0x40, s6  }
0x1f4: {  	[hbm4b:s25+s3] =	stream.linear.scatter [tilespmem:s23], [sflag:$0x4], $0x80, $0x38;
	[tilespmem:$0x18500] =	vst v63  }
0x1f5: {  	s5 =	sadd.s32 $0x70, s6;
	s19 =	simm.s32 $0x12AA8;
	s21 =	sadd.s32 $0x50, s6  }
0x1f6: {  	[hbm4b:s21+s3] =	stream.linear.scatter [tilespmem:s19], [sflag:$0x4], $0x80, $0x38;
	[tilespmem:$0x18500] =	vst v63  }
0x1f7: {  	s17 =	simm.s32 $0x440;
	s23 =	simm.s32 $0x12B30;
	s25 =	sadd.s32 $0x60, s6  }
0x1f8: {  	[hbm4b:s25+s3] =	stream.linear.scatter [tilespmem:s23], [sflag:$0x4], $0x80, $0x38;
	[tilespmem:$0x18500] =	vst v63  }
0x1f9: {  	s21 =	simm.s32 $0x2200;
	s19 =	sadd.s32 $0x1000, s6;
	s23 =	simm.s32 $0x12BB8  }
.LBB2_13:
0x1fa: {  	[hbm4b:s5+s3] =	stream.linear.scatter [tilespmem:s23], [sflag:$0x4], $0x80, $0x38;
	[tilespmem:$0x18500] =	vst v63  }
0x1fb: {  	s5 =	smov.u32 s17;
	s6 =	smov.u32 s21  }
0x1fc: {  	s17 =	sshra.s32 s6, $0x2;
	s6 =	sadd.s32 $0x1100, s21;
	s23 =	sadd.s32 $0x12800, s5  }
0x1fd: {  	[hbm4b:s19+s3] =	stream.linear.scatter [tilespmem:s23], [sflag:$0x4], $0x80, $0x38;
	[tilespmem:$0x18500] =	vst v63  }
0x1fe: {  	p0 =	sne.s32 s21, $0xFF00;
	s21 =	sadd.s32 $0x12888, s5;
	s23 =	sadd.s32 $0x10, s19  }
0x1ff: {  	[hbm4b:s23+s3] =	stream.linear.scatter [tilespmem:s21], [sflag:$0x4], $0x80, $0x38;
	[tilespmem:$0x18500] =	vst v63  }
0x200: {  	s21 =	sadd.s32 $0x12910, s5;
	s23 =	sadd.s32 $0x20, s19  }
0x201: {  	[hbm4b:s23+s3] =	stream.linear.scatter [tilespmem:s21], [sflag:$0x4], $0x80, $0x38;
	[tilespmem:$0x18500] =	vst v63  }
0x202: {  	s21 =	sadd.s32 $0x12998, s5;
	s23 =	sadd.s32 $0x30, s19  }
0x203: {  	[hbm4b:s23+s3] =	stream.linear.scatter [tilespmem:s21], [sflag:$0x4], $0x80, $0x38;
	[tilespmem:$0x18500] =	vst v63  }
0x204: {  	s21 =	sadd.s32 $0x12A20, s5;
	s23 =	sadd.s32 $0x40, s19  }
0x205: {  	[hbm4b:s23+s3] =	stream.linear.scatter [tilespmem:s21], [sflag:$0x4], $0x80, $0x38;
	[tilespmem:$0x18500] =	vst v63  }
0x206: {  	s21 =	sadd.s32 $0x12AA8, s5;
	s23 =	sadd.s32 $0x50, s19  }
0x207: {  	[hbm4b:s23+s3] =	stream.linear.scatter [tilespmem:s21], [sflag:$0x4], $0x80, $0x38;
	[tilespmem:$0x18500] =	vst v63  }
.Ltmp8:
0x208: {  	_ = 	snop;
	(pc) =	sbr.rel @p0 .LBB2_13-.Ltmp8, $4  }
0x209: {  	s21 =	sadd.s32 $0x12B30, s5;
	s23 =	sadd.s32 $0x60, s19  }
0x20a: {  	[hbm4b:s23+s3] =	stream.linear.scatter [tilespmem:s21], [sflag:$0x4], $0x80, $0x38;
	[tilespmem:$0x18500] =	vst v63  }
0x20b: {  	s23 =	sadd.s32 $0x12BB8, s5  }
0x20c: {  	s5 =	sadd.s32 $0x70, s19;
	s19 =	sadd.s32 $0x1000, s19;
	s21 =	smov.u32 s6  }
0x20d: {  	[hbm4b:s5+s3] =	stream.linear.scatter [tilespmem:s23], [sflag:$0x4], $0x80, $0x38;
	[tilespmem:$0x18500] =	vst v63  }
0x20e: {  	s23 =	sadd.s32 $0x12800, s17  }
0x20f: {  	[hbm4b:s19+s3] =	stream.linear.scatter [tilespmem:s23], [sflag:$0x4], $0x80, $0x38;
	[tilespmem:$0x18500] =	vst v63  }
0x210: {  	s25 =	sadd.s32 $0x12888, s17;
	s6 =	sadd.s32 $0x10, s19  }
0x211: {  	[hbm4b:s6+s3] =	stream.linear.scatter [tilespmem:s25], [sflag:$0x4], $0x80, $0x38;
	[tilespmem:$0x18500] =	vst v63  }
0x212: {  	s21 =	sadd.s32 $0x20, s19;
	s6 =	sadd.s32 $0x12910, s17  }
0x213: {  	[hbm4b:s21+s3] =	stream.linear.scatter [tilespmem:s6], [sflag:$0x4], $0x80, $0x38;
	[tilespmem:$0x18500] =	vst v63  }
0x214: {  	s23 =	sadd.s32 $0x12998, s17;
	s25 =	sadd.s32 $0x30, s19  }
0x215: {  	[hbm4b:s25+s3] =	stream.linear.scatter [tilespmem:s23], [sflag:$0x4], $0x80, $0x38;
	[tilespmem:$0x18500] =	vst v63  }
0x216: {  	s6 =	sadd.s32 $0x12A20, s17;
	s21 =	sadd.s32 $0x40, s19  }
0x217: {  	[hbm4b:s21+s3] =	stream.linear.scatter [tilespmem:s6], [sflag:$0x4], $0x80, $0x38;
	[tilespmem:$0x18500] =	vst v63  }
0x218: {  	p0 =	seq.s32 s12, $0x18;
	s23 =	sadd.s32 $0x12AA8, s17;
	s25 =	sadd.s32 $0x50, s19  }
0x219: {  	[hbm4b:s25+s3] =	stream.linear.scatter [tilespmem:s23], [sflag:$0x4], $0x80, $0x38;
	[tilespmem:$0x18500] =	vst v63  }
.Ltmp9:
0x21a: {  	_ = 	snop;
	(pc) =	sbr.rel @p0 .LBB2_16-.Ltmp9, $4  }
0x21b: {  	s6 =	sadd.s32 $0x12B30, s17;
	s21 =	sadd.s32 $0x60, s19  }
0x21c: {  	[hbm4b:s21+s3] =	stream.linear.scatter [tilespmem:s6], [sflag:$0x4], $0x80, $0x38;
	[tilespmem:$0x18500] =	vst v63  }
0x21d: {  	s23 =	sadd.s32 $0x12BB8, s17;
	s25 =	sadd.s32 $0x70, s19  }
0x21e: {  	[hbm4b:s25+s3] =	stream.linear.scatter [tilespmem:s23], [sflag:$0x4], $0x80, $0x38;
	[tilespmem:$0x18500] =	vst v63  }
0x21f: {  	s5 =	sshrl.u32 s15, $0x2  }
0x220: {  	s6 =	sadd.s32 $0x600, s5  }
0x221: {  	[tilespmem:s20], [sflag:$0x2] =	stream.indirect.gather [hbm4b:s4+s11], $0x20, s6, s11, $0xb8;
	[tilespmem:$0x18500] =	vst v63  }
0x222: {  	s23 =	sadd.s32 $0x680, s5  }
0x223: {  	[tilespmem:s22], [sflag:$0x2] =	stream.indirect.gather [hbm4b:s4+s11], $0x20, s23, s11, $0xb8;
	[tilespmem:$0x18500] =	vst v63  }
.Ltmp10:
0x224: {  	_ = 	snop;
	(pc) =	sbr.rel .LBB2_2-.Ltmp10, $4  }
0x225: {  	s25 =	sadd.s32 $0x700, s5  }
0x226: {  	[tilespmem:s24], [sflag:$0x2] =	stream.indirect.gather [hbm4b:s4+s11], $0x20, s25, s11, $0xb8;
	[tilespmem:$0x18500] =	vst v63  }
0x227: {  	s12 =	sadd.s32 $0x1, s12;
	s5 =	sadd.s32 $0x780, s5  }
0x228: {  	[tilespmem:s26], [sflag:$0x2] =	stream.indirect.gather [hbm4b:s4+s11], $0x20, s5, s11, $0xb8;
	[tilespmem:$0x18500] =	vst v63  }
.LBB2_17:
0x229: {  	_ =	sfence.sel $0x180000  }
0x22a: {  	[bflag:$0x0] =	sbarrier.arrive $0xFFFF  }
0x22b: {  	_ =	strace $0x90000047  }
0x22c: {  	s0 =	stileid.u32;
	[bflag:$0x2] =	sbarrier.arrive $0xFFFF  }
0x22d: {  	p0 =	sne.s32 s0, $0x0;
	s0 =	rddreg [dreg:$0x2]  }
0x22e: {  	s0 =	sadd.s32 @!p0 $0x100000, s0  }
0x22f: {  	[sflag:s0] =	ssyncadd.tile.s32 @!p0 $0x1;
	_ =	shalt  }
.Lfunc_end2:
_tile_overlayer_lowered:
.L_overlay_start_2:
0x230: {  	(tag) =	ssettag $0x2  }
0x231: {  	s0 =	rddreg [dreg:$0x0];
	s2 =	stileid.u32  }
0x232: {  	s1 =	rddreg [dreg:$0x1];
	p0 =	sne.s32 s2, $0x0  }
0x233: {  	s3 =	rddreg [dreg:$0x2];
	[bflag:$0x3] =	sbarrier.arrive $0xFFFF;
	s2 =	simm.s32 @!p0 $0x1C05  }
0x234: {  	[timem:s3], [sflag:s2] =	dma.local @!p0 [hbm:s0], s1  }
0x235: {  	s0 =	simm.s32 @!p0 $0x5  }
0x236: {  	_ =	swait.ge @!p0 [sflag:s0], s1  }
0x237: {  	s1 =	ssub.s32 @!p0 $0x0, s1;
	[sflag:s0] =	ssyncset.done @!p0 $0x0  }
0x238: {  	[sflag:s0] =	ssyncadd.s32 @!p0 s1  }
0x239: {  	[bflag:$0x3] =	sbarrier.arrive $0xFFFF  }
0x23a: {  	_ =	shalt  }

</sc_bundles>
